<compile_context>
chip_gen: v7x
topology: tpu7x:2x2x1
jax: 0.10.2.dev20260603
libtpu: 0.0.44.dev20260713+nightly
codegen_flags: <defaults>
</compile_context>

<pallas_src>
import functools

import jax
import jax.numpy as jnp
from jax import lax
from jax.experimental import pallas as pl
from jax.experimental.pallas import tpu as pltpu
from jax.experimental.pallas import tpu_sc as plsc

B = 10
N = 1000
NP = 1024
K = 16
C = 32
NCLS = 40
TOPK_CHUNK = 128
E = B * NP * K
_BIG = 3.0e38


def _tc1_body(posP, posT, wa1, wp1, b1a, w1b, b1b, wh2, wp2, b2a,
              idxO, aO, bO, aS, bS, h1S):
    g = pl.program_id(0)
    p = posP[0]
    pT = posT[0]
    col_row = lax.broadcasted_iota(jnp.int32, (1, NP), 1)
    sq_row = (jnp.sum(pT * pT, axis=0, keepdims=True)
              + jnp.where(col_row >= N, _BIG, 0.0))
    col_i = lax.broadcasted_iota(jnp.int32, (TOPK_CHUNK, NP), 1)

    aS[:, :] = jnp.dot(p, wa1[:, :]) + b1a[0:1, :]
    bS[:, :] = jnp.dot(p, wp1[:, :])

    def topk_chunk(c, _):
        base = c * TOPK_CHUNK
        pc = posP[0, pl.ds(base, TOPK_CHUNK), :]
        sqc = jnp.sum(pc * pc, axis=1, keepdims=True)
        d = (sqc + sq_row) - 2.0 * jnp.dot(pc, pT)
        bc_ = bS[pl.ds(base, TOPK_CHUNK), :]
        bits = lax.bitcast_convert_type(d, jnp.int32)
        s = bits ^ ((bits >> 31) & jnp.int32(0x7FFFFFFF))
        key = (s & jnp.int32(-1024)) | col_i
        cols = []
        mx = None
        for _k in range(K):
            kmin = jnp.min(key, axis=1, keepdims=True)
            z = key == kmin
            key = jnp.where(z, jnp.int32(0x7FFFFFFF), key)
            cols.append(kmin & jnp.int32(1023))
            zf = z.astype(jnp.float32)
            gk = jnp.dot(zf, aS[:, :])
            msg = jnp.dot(jnp.maximum(gk - bc_, 0.0), w1b[:, :])
            mx = msg if mx is None else jnp.maximum(mx, msg)
        idxO[0, pl.ds(base, TOPK_CHUNK), :] = (
            jnp.concatenate(cols, axis=1) + g * NP)
        h1S[pl.ds(base, TOPK_CHUNK), :] = jnp.maximum(mx + b1b[0:1, :], 0.0)
        return 0

    lax.fori_loop(0, NP // TOPK_CHUNK, topk_chunk, 0, unroll=False)

    p2 = jnp.dot(p, wp2[:, :])
    aO[0, :, 0:C] = jnp.dot(h1S[:, :], wh2[:, :]) + p2 + b2a[0:1, :]
    aO[0, :, C:128] = jnp.zeros((NP, 128 - C), jnp.float32)
    bO[0] = p2


def _tc2_body(edges, b2t, w2b, b2b, wc, bc, out):
    e3 = edges[0, :, 0:C].reshape(NP, K, C)
    pre = e3 - b2t[0][:, None, :]
    act = jnp.maximum(pre, 0.0).reshape(NP * K, C)
    msg = (jnp.dot(act, w2b[:, :]) + b2b[0:1, :]).reshape(NP, K, C)
    h2 = jnp.maximum(jnp.max(msg, axis=1), 0.0)
    row_i = lax.broadcasted_iota(jnp.int32, (NP, C), 0)
    hm = jnp.where(row_i >= N, 0.0, h2)
    gmax = jnp.max(hm, axis=0, keepdims=True)
    out[0] = jnp.dot(gmax, wc[:, :]) + bc[0:1, :]


_SC_CHUNK = 128
_NBUF = 5


def _sc_gather(table, idx):
    info = plsc.get_sparse_core_info()
    nw = info.num_cores * info.num_subcores
    b_per_w = E // nw
    n_chunks = b_per_w // _SC_CHUNK
    mesh = plsc.VectorSubcoreMesh(core_axis_name="c", subcore_axis_name="s")

    @functools.partial(
        pl.kernel, mesh=mesh,
        out_type=jax.ShapeDtypeStruct((E, 128), jnp.float32),
        scratch_types=(
            [pltpu.VMEM((_SC_CHUNK,), jnp.int32)] * _NBUF
            + [pltpu.VMEM((_SC_CHUNK, 128), jnp.float32)] * _NBUF
            + [pltpu.SemaphoreType.DMA] * _NBUF
        ),
    )
    def k(table_hbm, idx_hbm, out_hbm, *bufs):
        idxs = bufs[0:_NBUF]
        rows = bufs[_NBUF:2 * _NBUF]
        sems = bufs[2 * _NBUF:3 * _NBUF]
        wid = lax.axis_index("s") * info.num_cores + lax.axis_index("c")
        base_w = wid * b_per_w

        def chunkn(c, _):
            cps = []
            for i in range(_NBUF):
                bi = base_w + (_NBUF * c + i) * _SC_CHUNK
                pltpu.sync_copy(idx_hbm.at[pl.ds(bi, _SC_CHUNK)], idxs[i])
                cps.append(pltpu.async_copy(
                    table_hbm.at[idxs[i]], rows[i], sems[i]))
            for i in range(_NBUF):
                bi = base_w + (_NBUF * c + i) * _SC_CHUNK
                cps[i].wait()
                pltpu.sync_copy(rows[i], out_hbm.at[pl.ds(bi, _SC_CHUNK)])
            return 0

        lax.fori_loop(0, n_chunks // _NBUF, chunkn, 0, unroll=False)

    return k(table, idx)


def _full(shape):
    nd = len(shape)
    return pl.BlockSpec(shape, lambda g, _n=nd: (0,) * _n)


def _padrow(x, rows=8):
    return jnp.zeros((rows, x.shape[-1]), x.dtype).at[: x.shape[0]].set(x)


@functools.partial(jax.jit, static_argnames=())
def kernel(pos, batch, W1a, b1a, W1b, b1b, W2a, b2a, W2b, b2b, Wc, bc):
    P = pos.reshape(B, N, 3)
    posP = jnp.zeros((B, NP, 8), jnp.float32).at[:, :N, :3].set(P)
    posT = posP.transpose(0, 2, 1)
    wa1 = _padrow(W1a[0:3] + W1a[3:6])
    wp1 = _padrow(W1a[3:6])
    wh2 = W2a[0:C]
    wp2 = _padrow(W2a[C:C + 3])

    idxG, a2, b2t = pl.pallas_call(
        _tc1_body,
        grid=(B,),
        in_specs=[
            pl.BlockSpec((1, NP, 8), lambda g: (g, 0, 0)),
            pl.BlockSpec((1, 8, NP), lambda g: (g, 0, 0)),
            _full((8, C)), _full((8, C)), _full((8, C)), _full((C, C)),
            _full((8, C)), _full((C, C)), _full((8, C)), _full((8, C)),
        ],
        out_specs=[
            pl.BlockSpec((1, NP, K), lambda g: (g, 0, 0)),
            pl.BlockSpec((1, NP, 128), lambda g: (g, 0, 0)),
            pl.BlockSpec((1, NP, C), lambda g: (g, 0, 0)),
        ],
        out_shape=[
            jax.ShapeDtypeStruct((B, NP, K), jnp.int32),
            jax.ShapeDtypeStruct((B, NP, 128), jnp.float32),
            jax.ShapeDtypeStruct((B, NP, C), jnp.float32),
        ],
        scratch_shapes=[
            pltpu.VMEM((NP, C), jnp.float32),
            pltpu.VMEM((NP, C), jnp.float32),
            pltpu.VMEM((NP, C), jnp.float32),
        ],
    )(posP, posT, wa1, wp1, _padrow(b1a[None, :]), W1b,
      _padrow(b1b[None, :]), wh2, wp2, _padrow(b2a[None, :]))

    edges = _sc_gather(a2.reshape(B * NP, 128), idxG.reshape(E))

    out = pl.pallas_call(
        _tc2_body,
        grid=(B,),
        in_specs=[
            pl.BlockSpec((1, NP * K, 128), lambda g: (g, 0, 0)),
            pl.BlockSpec((1, NP, C), lambda g: (g, 0, 0)),
            _full((C, C)), _full((8, C)), _full((C, NCLS)),
            _full((8, NCLS)),
        ],
        out_specs=pl.BlockSpec((1, 1, NCLS), lambda g: (g, 0, 0)),
        out_shape=jax.ShapeDtypeStruct((B, 1, NCLS), jnp.float32),
    )(edges.reshape(B, NP * K, 128), b2t, W2b, _padrow(b2b[None, :]), Wc,
      _padrow(bc[None, :]))
    return out.reshape(B, NCLS)

# --- scband reference (transcript-rebuilt; emitter-appended) ---
"""Pipeline reference for scband-point-net-61280593379643 (READ-ONLY COPY).

The authoritative reference and input builder live on the scoring server;
editing this copy changes nothing except your own understanding.
"""

import jax, jax.numpy as jnp
import numpy as np

B = 10
NPG = 1000
K = 16
NUM_CLASSES = 40

def setup_inputs(seed: int = 0):
    key = jax.random.key(seed)
    ks = jax.random.split(key, 8)
    pos = jax.random.normal(ks[0], (B * NPG, 3), dtype=jnp.float32)
    batch = jnp.repeat(jnp.arange(B, dtype=jnp.int32), NPG)
    def lin(k, fan_in, fan_out):
        s = 1.0 / np.sqrt(fan_in)
        return jax.random.uniform(k, (fan_in, fan_out), minval=-s, maxval=s, dtype=jnp.float32)
    W1a = lin(ks[1], 6, 32); b1a = jnp.zeros((32,), jnp.float32)
    W1b = lin(ks[2], 32, 32); b1b = jnp.zeros((32,), jnp.float32)
    W2a = lin(ks[3], 35, 32); b2a = jnp.zeros((32,), jnp.float32)
    W2b = lin(ks[4], 32, 32); b2b = jnp.zeros((32,), jnp.float32)
    Wc = lin(ks[5], 32, NUM_CLASSES); bc = jnp.zeros((NUM_CLASSES,), jnp.float32)
    return {"pos": pos, "batch": batch, "W1a": W1a, "b1a": b1a, "W1b": W1b, "b1b": b1b, "W2a": W2a, "b2a": b2a, "W2b": W2b, "b2b": b2b, "Wc": Wc, "bc": bc}

def _knn_idx(p):
    # p: [B, n, 3]; kNN within each graph, loop=True so self (d2=0) is included
    sq = jnp.sum(p * p, axis=-1)
    d2 = sq[:, :, None] + sq[:, None, :] - 2.0 * jnp.einsum('bnd,bmd->bnm', p, p)
    _, idx = jax.lax.top_k(-d2, K)
    return idx  # [B, n, K] source/neighbor indices per target node

def _pointnet_layer(h, p, idx, W1, b1, W2, b2):
    gather = jax.vmap(lambda arr, i: arr[i])
    h_j = gather(h, idx)          # [B, n, K, C]
    pos_j = gather(p, idx)        # [B, n, K, 3]
    spatial = pos_j - p[:, :, None, :]
    inp = jnp.concatenate([h_j, spatial], axis=-1)
    msg = jax.nn.relu(inp @ W1 + b1) @ W2 + b2
    return jnp.max(msg, axis=2)   # aggr='max' over incoming edges

def reference(pos, batch, W1a, b1a, W1b, b1b, W2a, b2a, W2b, b2b, Wc, bc):
    p = pos.reshape(B, NPG, 3)
    idx = _knn_idx(p)
    h = _pointnet_layer(p, p, idx, W1a, b1a, W1b, b1b)  # conv1: h = pos
    h = jax.nn.relu(h)
    h = _pointnet_layer(h, p, idx, W2a, b2a, W2b, b2b)  # conv2
    h = jax.nn.relu(h)
    g = jnp.max(h, axis=1)  # global_max_pool per graph (equal-size graphs)
    return g @ Wc + bc

if __name__ == "__main__":
    import jax
    _d = setup_inputs()
    print(jax.jit(kernel)(*tuple(_d.values())))

</pallas_src>

<mosaic_0001>
#map = affine_map<(d0, d1) -> (0, 0)>
#map1 = affine_map<(d0, d1) -> (0)>
module attributes {stable_mosaic.version = 14 : i64} {
  func.func @k(%arg0: i32, %arg1: i32, %arg2: memref<10240x128xf32, #tpu.memory_space<hbm>>, %arg3: memref<163840xi32, #tpu.memory_space<hbm>>, %arg4: memref<163840x128xf32, #tpu.memory_space<hbm>>, %arg5: memref<128xi32, #tpu.memory_space<vmem>>, %arg6: memref<128xi32, #tpu.memory_space<vmem>>, %arg7: memref<128xi32, #tpu.memory_space<vmem>>, %arg8: memref<128xi32, #tpu.memory_space<vmem>>, %arg9: memref<128xi32, #tpu.memory_space<vmem>>, %arg10: memref<128x128xf32, #tpu.memory_space<vmem>>, %arg11: memref<128x128xf32, #tpu.memory_space<vmem>>, %arg12: memref<128x128xf32, #tpu.memory_space<vmem>>, %arg13: memref<128x128xf32, #tpu.memory_space<vmem>>, %arg14: memref<128x128xf32, #tpu.memory_space<vmem>>, %arg15: memref<!tpu.dma_semaphore, #tpu.memory_space<semaphore_mem>>, %arg16: memref<!tpu.dma_semaphore, #tpu.memory_space<semaphore_mem>>, %arg17: memref<!tpu.dma_semaphore, #tpu.memory_space<semaphore_mem>>, %arg18: memref<!tpu.dma_semaphore, #tpu.memory_space<semaphore_mem>>, %arg19: memref<!tpu.dma_semaphore, #tpu.memory_space<semaphore_mem>>) attributes {dimension_semantics = [#tpu.dimension_semantics<core_parallel>, #tpu.dimension_semantics<subcore_parallel>], iteration_bounds = array<i64: 2, 16>, scalar_prefetch = 0 : i64, scratch_operands = 15 : i64, tpu.core_type = #tpu.core_type<sc_vector_subcore>, window_params = [{transform_indices = #map}, {transform_indices = #map1}, {transform_indices = #map}]} {
    %mul3A = arith.constant 2 : i32
    %mul3A_0 = arith.muli %arg1, %mul3A : i32
    %add3A = arith.addi %mul3A_0, %arg0 : i32
    %mul3A_1 = arith.constant 5120 : i32
    %mul3A_2 = arith.muli %add3A, %mul3A_1 : i32
    %scan3A = arith.constant 0 : i32
    %scan3A_3 = arith.constant 0 : i32
    %scan3A_4 = arith.constant 8 : i32
    %scan3A_5 = arith.addi %scan3A_3, %scan3A_4 : i32
    %scan3A_6 = arith.constant 1 : i32
    %scan3A_7 = scf.for %scan3A_9 = %scan3A_3 to %scan3A_5 step %scan3A_6 iter_args(%scan3A_10 = %scan3A) -> (i32)  : i32 {
      %mul3A_11 = arith.constant 5 : i32
      %mul3A_12 = arith.muli %mul3A_11, %scan3A_9 : i32
      %add3A_13 = arith.constant 0 : i32
      %add3A_14 = arith.addi %mul3A_12, %add3A_13 : i32
      %mul3A_15 = arith.constant 128 : i32
      %mul3A_16 = arith.muli %add3A_14, %mul3A_15 : i32
      %add3A_17 = arith.addi %mul3A_2, %mul3A_16 : i32
      "tpu.region"() ({
        %run_scoped3A = tpu.sem_alloc : memref<!tpu.dma_semaphore, #tpu.memory_space<semaphore_mem>>
        %dma_start3A_110 = tpu.memref_slice %arg3[%add3A_17] : memref<163840xi32, #tpu.memory_space<hbm>> -> memref<128xi32, #tpu.memory_space<hbm>>
        %dma_start3A_111 = tpu.memref_slice %arg3[%add3A_17] : memref<163840xi32, #tpu.memory_space<hbm>> -> memref<128xi32, #tpu.memory_space<hbm>>
        tpu.enqueue_dma source(%dma_start3A_111 : memref<128xi32, #tpu.memory_space<hbm>>) target(%arg5 : memref<128xi32, #tpu.memory_space<vmem>>) target_semaphore(%run_scoped3A : memref<!tpu.dma_semaphore, #tpu.memory_space<semaphore_mem>>)
        %dma_wait3A_112 = tpu.memref_slice %arg3[%add3A_17] : memref<163840xi32, #tpu.memory_space<hbm>> -> memref<128xi32, #tpu.memory_space<hbm>>
        %dma_wait3A_113 = tpu.memref_slice %arg3[%add3A_17] : memref<163840xi32, #tpu.memory_space<hbm>> -> memref<128xi32, #tpu.memory_space<hbm>>
        tpu.wait_dma2 semaphore(%run_scoped3A : memref<!tpu.dma_semaphore, #tpu.memory_space<semaphore_mem>>) src(%dma_wait3A_113 : memref<128xi32, #tpu.memory_space<hbm>>) dst(%arg5 : memref<128xi32, #tpu.memory_space<vmem>>)
        tpu.yield
      }) : () -> ()
      %dma_start3A = arith.constant 0 : i32
      %dma_start3A_18 = arith.constant 0 : i32
      %dma_start3A_19 = tpu.memref_slice %arg2[%dma_start3A, %dma_start3A_18] : memref<10240x128xf32, #tpu.memory_space<hbm>> -> memref<10240x128xf32, #tpu.memory_space<hbm>>
      tpu.enqueue_indirect_dma source(%dma_start3A_19 : memref<10240x128xf32, #tpu.memory_space<hbm>>) target(%arg10 : memref<128x128xf32, #tpu.memory_space<vmem>>) offsets(%arg5 : memref<128xi32, #tpu.memory_space<vmem>>) semaphore(%arg15 : memref<!tpu.dma_semaphore, #tpu.memory_space<semaphore_mem>>)
      %mul3A_20 = arith.constant 5 : i32
      %mul3A_21 = arith.muli %mul3A_20, %scan3A_9 : i32
      %add3A_22 = arith.constant 1 : i32
      %add3A_23 = arith.addi %mul3A_21, %add3A_22 : i32
      %mul3A_24 = arith.constant 128 : i32
      %mul3A_25 = arith.muli %add3A_23, %mul3A_24 : i32
      %add3A_26 = arith.addi %mul3A_2, %mul3A_25 : i32
      "tpu.region"() ({
        %run_scoped3A = tpu.sem_alloc : memref<!tpu.dma_semaphore, #tpu.memory_space<semaphore_mem>>
        %dma_start3A_110 = tpu.memref_slice %arg3[%add3A_26] : memref<163840xi32, #tpu.memory_space<hbm>> -> memref<128xi32, #tpu.memory_space<hbm>>
        %dma_start3A_111 = tpu.memref_slice %arg3[%add3A_26] : memref<163840xi32, #tpu.memory_space<hbm>> -> memref<128xi32, #tpu.memory_space<hbm>>
        tpu.enqueue_dma source(%dma_start3A_111 : memref<128xi32, #tpu.memory_space<hbm>>) target(%arg6 : memref<128xi32, #tpu.memory_space<vmem>>) target_semaphore(%run_scoped3A : memref<!tpu.dma_semaphore, #tpu.memory_space<semaphore_mem>>)
        %dma_wait3A_112 = tpu.memref_slice %arg3[%add3A_26] : memref<163840xi32, #tpu.memory_space<hbm>> -> memref<128xi32, #tpu.memory_space<hbm>>
        %dma_wait3A_113 = tpu.memref_slice %arg3[%add3A_26] : memref<163840xi32, #tpu.memory_space<hbm>> -> memref<128xi32, #tpu.memory_space<hbm>>
        tpu.wait_dma2 semaphore(%run_scoped3A : memref<!tpu.dma_semaphore, #tpu.memory_space<semaphore_mem>>) src(%dma_wait3A_113 : memref<128xi32, #tpu.memory_space<hbm>>) dst(%arg6 : memref<128xi32, #tpu.memory_space<vmem>>)
        tpu.yield
      }) : () -> ()
      %dma_start3A_27 = arith.constant 0 : i32
      %dma_start3A_28 = arith.constant 0 : i32
      %dma_start3A_29 = tpu.memref_slice %arg2[%dma_start3A_27, %dma_start3A_28] : memref<10240x128xf32, #tpu.memory_space<hbm>> -> memref<10240x128xf32, #tpu.memory_space<hbm>>
      tpu.enqueue_indirect_dma source(%dma_start3A_29 : memref<10240x128xf32, #tpu.memory_space<hbm>>) target(%arg11 : memref<128x128xf32, #tpu.memory_space<vmem>>) offsets(%arg6 : memref<128xi32, #tpu.memory_space<vmem>>) semaphore(%arg16 : memref<!tpu.dma_semaphore, #tpu.memory_space<semaphore_mem>>)
      %mul3A_30 = arith.constant 5 : i32
      %mul3A_31 = arith.muli %mul3A_30, %scan3A_9 : i32
      %add3A_32 = arith.constant 2 : i32
      %add3A_33 = arith.addi %mul3A_31, %add3A_32 : i32
      %mul3A_34 = arith.constant 128 : i32
      %mul3A_35 = arith.muli %add3A_33, %mul3A_34 : i32
      %add3A_36 = arith.addi %mul3A_2, %mul3A_35 : i32
      "tpu.region"() ({
        %run_scoped3A = tpu.sem_alloc : memref<!tpu.dma_semaphore, #tpu.memory_space<semaphore_mem>>
        %dma_start3A_110 = tpu.memref_slice %arg3[%add3A_36] : memref<163840xi32, #tpu.memory_space<hbm>> -> memref<128xi32, #tpu.memory_space<hbm>>
        %dma_start3A_111 = tpu.memref_slice %arg3[%add3A_36] : memref<163840xi32, #tpu.memory_space<hbm>> -> memref<128xi32, #tpu.memory_space<hbm>>
        tpu.enqueue_dma source(%dma_start3A_111 : memref<128xi32, #tpu.memory_space<hbm>>) target(%arg7 : memref<128xi32, #tpu.memory_space<vmem>>) target_semaphore(%run_scoped3A : memref<!tpu.dma_semaphore, #tpu.memory_space<semaphore_mem>>)
        %dma_wait3A_112 = tpu.memref_slice %arg3[%add3A_36] : memref<163840xi32, #tpu.memory_space<hbm>> -> memref<128xi32, #tpu.memory_space<hbm>>
        %dma_wait3A_113 = tpu.memref_slice %arg3[%add3A_36] : memref<163840xi32, #tpu.memory_space<hbm>> -> memref<128xi32, #tpu.memory_space<hbm>>
        tpu.wait_dma2 semaphore(%run_scoped3A : memref<!tpu.dma_semaphore, #tpu.memory_space<semaphore_mem>>) src(%dma_wait3A_113 : memref<128xi32, #tpu.memory_space<hbm>>) dst(%arg7 : memref<128xi32, #tpu.memory_space<vmem>>)
        tpu.yield
      }) : () -> ()
      %dma_start3A_37 = arith.constant 0 : i32
      %dma_start3A_38 = arith.constant 0 : i32
      %dma_start3A_39 = tpu.memref_slice %arg2[%dma_start3A_37, %dma_start3A_38] : memref<10240x128xf32, #tpu.memory_space<hbm>> -> memref<10240x128xf32, #tpu.memory_space<hbm>>
      tpu.enqueue_indirect_dma source(%dma_start3A_39 : memref<10240x128xf32, #tpu.memory_space<hbm>>) target(%arg12 : memref<128x128xf32, #tpu.memory_space<vmem>>) offsets(%arg7 : memref<128xi32, #tpu.memory_space<vmem>>) semaphore(%arg17 : memref<!tpu.dma_semaphore, #tpu.memory_space<semaphore_mem>>)
      %mul3A_40 = arith.constant 5 : i32
      %mul3A_41 = arith.muli %mul3A_40, %scan3A_9 : i32
      %add3A_42 = arith.constant 3 : i32
      %add3A_43 = arith.addi %mul3A_41, %add3A_42 : i32
      %mul3A_44 = arith.constant 128 : i32
      %mul3A_45 = arith.muli %add3A_43, %mul3A_44 : i32
      %add3A_46 = arith.addi %mul3A_2, %mul3A_45 : i32
      "tpu.region"() ({
        %run_scoped3A = tpu.sem_alloc : memref<!tpu.dma_semaphore, #tpu.memory_space<semaphore_mem>>
        %dma_start3A_110 = tpu.memref_slice %arg3[%add3A_46] : memref<163840xi32, #tpu.memory_space<hbm>> -> memref<128xi32, #tpu.memory_space<hbm>>
        %dma_start3A_111 = tpu.memref_slice %arg3[%add3A_46] : memref<163840xi32, #tpu.memory_space<hbm>> -> memref<128xi32, #tpu.memory_space<hbm>>
        tpu.enqueue_dma source(%dma_start3A_111 : memref<128xi32, #tpu.memory_space<hbm>>) target(%arg8 : memref<128xi32, #tpu.memory_space<vmem>>) target_semaphore(%run_scoped3A : memref<!tpu.dma_semaphore, #tpu.memory_space<semaphore_mem>>)
        %dma_wait3A_112 = tpu.memref_slice %arg3[%add3A_46] : memref<163840xi32, #tpu.memory_space<hbm>> -> memref<128xi32, #tpu.memory_space<hbm>>
        %dma_wait3A_113 = tpu.memref_slice %arg3[%add3A_46] : memref<163840xi32, #tpu.memory_space<hbm>> -> memref<128xi32, #tpu.memory_space<hbm>>
        tpu.wait_dma2 semaphore(%run_scoped3A : memref<!tpu.dma_semaphore, #tpu.memory_space<semaphore_mem>>) src(%dma_wait3A_113 : memref<128xi32, #tpu.memory_space<hbm>>) dst(%arg8 : memref<128xi32, #tpu.memory_space<vmem>>)
        tpu.yield
      }) : () -> ()
      %dma_start3A_47 = arith.constant 0 : i32
      %dma_start3A_48 = arith.constant 0 : i32
      %dma_start3A_49 = tpu.memref_slice %arg2[%dma_start3A_47, %dma_start3A_48] : memref<10240x128xf32, #tpu.memory_space<hbm>> -> memref<10240x128xf32, #tpu.memory_space<hbm>>
      tpu.enqueue_indirect_dma source(%dma_start3A_49 : memref<10240x128xf32, #tpu.memory_space<hbm>>) target(%arg13 : memref<128x128xf32, #tpu.memory_space<vmem>>) offsets(%arg8 : memref<128xi32, #tpu.memory_space<vmem>>) semaphore(%arg18 : memref<!tpu.dma_semaphore, #tpu.memory_space<semaphore_mem>>)
      %mul3A_50 = arith.constant 5 : i32
      %mul3A_51 = arith.muli %mul3A_50, %scan3A_9 : i32
      %add3A_52 = arith.constant 4 : i32
      %add3A_53 = arith.addi %mul3A_51, %add3A_52 : i32
      %mul3A_54 = arith.constant 128 : i32
      %mul3A_55 = arith.muli %add3A_53, %mul3A_54 : i32
      %add3A_56 = arith.addi %mul3A_2, %mul3A_55 : i32
      "tpu.region"() ({
        %run_scoped3A = tpu.sem_alloc : memref<!tpu.dma_semaphore, #tpu.memory_space<semaphore_mem>>
        %dma_start3A_110 = tpu.memref_slice %arg3[%add3A_56] : memref<163840xi32, #tpu.memory_space<hbm>> -> memref<128xi32, #tpu.memory_space<hbm>>
        %dma_start3A_111 = tpu.memref_slice %arg3[%add3A_56] : memref<163840xi32, #tpu.memory_space<hbm>> -> memref<128xi32, #tpu.memory_space<hbm>>
        tpu.enqueue_dma source(%dma_start3A_111 : memref<128xi32, #tpu.memory_space<hbm>>) target(%arg9 : memref<128xi32, #tpu.memory_space<vmem>>) target_semaphore(%run_scoped3A : memref<!tpu.dma_semaphore, #tpu.memory_space<semaphore_mem>>)
        %dma_wait3A_112 = tpu.memref_slice %arg3[%add3A_56] : memref<163840xi32, #tpu.memory_space<hbm>> -> memref<128xi32, #tpu.memory_space<hbm>>
        %dma_wait3A_113 = tpu.memref_slice %arg3[%add3A_56] : memref<163840xi32, #tpu.memory_space<hbm>> -> memref<128xi32, #tpu.memory_space<hbm>>
        tpu.wait_dma2 semaphore(%run_scoped3A : memref<!tpu.dma_semaphore, #tpu.memory_space<semaphore_mem>>) src(%dma_wait3A_113 : memref<128xi32, #tpu.memory_space<hbm>>) dst(%arg9 : memref<128xi32, #tpu.memory_space<vmem>>)
        tpu.yield
      }) : () -> ()
      %dma_start3A_57 = arith.constant 0 : i32
      %dma_start3A_58 = arith.constant 0 : i32
      %dma_start3A_59 = tpu.memref_slice %arg2[%dma_start3A_57, %dma_start3A_58] : memref<10240x128xf32, #tpu.memory_space<hbm>> -> memref<10240x128xf32, #tpu.memory_space<hbm>>
      tpu.enqueue_indirect_dma source(%dma_start3A_59 : memref<10240x128xf32, #tpu.memory_space<hbm>>) target(%arg14 : memref<128x128xf32, #tpu.memory_space<vmem>>) offsets(%arg9 : memref<128xi32, #tpu.memory_space<vmem>>) semaphore(%arg19 : memref<!tpu.dma_semaphore, #tpu.memory_space<semaphore_mem>>)
      %mul3A_60 = arith.constant 5 : i32
      %mul3A_61 = arith.muli %mul3A_60, %scan3A_9 : i32
      %add3A_62 = arith.constant 0 : i32
      %add3A_63 = arith.addi %mul3A_61, %add3A_62 : i32
      %mul3A_64 = arith.constant 128 : i32
      %mul3A_65 = arith.muli %add3A_63, %mul3A_64 : i32
      %add3A_66 = arith.addi %mul3A_2, %mul3A_65 : i32
      %dma_wait3A = arith.constant 0 : i32
      %dma_wait3A_67 = arith.constant 0 : i32
      %dma_wait3A_68 = tpu.memref_slice %arg2[%dma_wait3A, %dma_wait3A_67] : memref<10240x128xf32, #tpu.memory_space<hbm>> -> memref<10240x128xf32, #tpu.memory_space<hbm>>
      tpu.wait_indirect_dma semaphore(%arg15 : memref<!tpu.dma_semaphore, #tpu.memory_space<semaphore_mem>>) src(%dma_wait3A_68 : memref<10240x128xf32, #tpu.memory_space<hbm>>) dst(%arg10 : memref<128x128xf32, #tpu.memory_space<vmem>>)
      "tpu.region"() ({
        %run_scoped3A = tpu.sem_alloc : memref<!tpu.dma_semaphore, #tpu.memory_space<semaphore_mem>>
        %dma_start3A_110 = arith.constant 0 : i32
        %dma_start3A_111 = tpu.memref_slice %arg4[%add3A_66, %dma_start3A_110] : memref<163840x128xf32, #tpu.memory_space<hbm>> -> memref<128x128xf32, #tpu.memory_space<hbm>>
        %dma_start3A_112 = arith.constant 0 : i32
        %dma_start3A_113 = tpu.memref_slice %arg4[%add3A_66, %dma_start3A_112] : memref<163840x128xf32, #tpu.memory_space<hbm>> -> memref<128x128xf32, #tpu.memory_space<hbm>>
        tpu.enqueue_dma source(%arg10 : memref<128x128xf32, #tpu.memory_space<vmem>>) target(%dma_start3A_113 : memref<128x128xf32, #tpu.memory_space<hbm>>) target_semaphore(%run_scoped3A : memref<!tpu.dma_semaphore, #tpu.memory_space<semaphore_mem>>)
        %dma_wait3A_114 = arith.constant 0 : i32
        %dma_wait3A_115 = tpu.memref_slice %arg4[%add3A_66, %dma_wait3A_114] : memref<163840x128xf32, #tpu.memory_space<hbm>> -> memref<128x128xf32, #tpu.memory_space<hbm>>
        %dma_wait3A_116 = arith.constant 0 : i32
        %dma_wait3A_117 = tpu.memref_slice %arg4[%add3A_66, %dma_wait3A_116] : memref<163840x128xf32, #tpu.memory_space<hbm>> -> memref<128x128xf32, #tpu.memory_space<hbm>>
        tpu.wait_dma2 semaphore(%run_scoped3A : memref<!tpu.dma_semaphore, #tpu.memory_space<semaphore_mem>>) src(%arg10 : memref<128x128xf32, #tpu.memory_space<vmem>>) dst(%dma_wait3A_117 : memref<128x128xf32, #tpu.memory_space<hbm>>)
        tpu.yield
      }) : () -> ()
      %mul3A_69 = arith.constant 5 : i32
      %mul3A_70 = arith.muli %mul3A_69, %scan3A_9 : i32
      %add3A_71 = arith.constant 1 : i32
      %add3A_72 = arith.addi %mul3A_70, %add3A_71 : i32
      %mul3A_73 = arith.constant 128 : i32
      %mul3A_74 = arith.muli %add3A_72, %mul3A_73 : i32
      %add3A_75 = arith.addi %mul3A_2, %mul3A_74 : i32
      %dma_wait3A_76 = arith.constant 0 : i32
      %dma_wait3A_77 = arith.constant 0 : i32
      %dma_wait3A_78 = tpu.memref_slice %arg2[%dma_wait3A_76, %dma_wait3A_77] : memref<10240x128xf32, #tpu.memory_space<hbm>> -> memref<10240x128xf32, #tpu.memory_space<hbm>>
      tpu.wait_indirect_dma semaphore(%arg16 : memref<!tpu.dma_semaphore, #tpu.memory_space<semaphore_mem>>) src(%dma_wait3A_78 : memref<10240x128xf32, #tpu.memory_space<hbm>>) dst(%arg11 : memref<128x128xf32, #tpu.memory_space<vmem>>)
      "tpu.region"() ({
        %run_scoped3A = tpu.sem_alloc : memref<!tpu.dma_semaphore, #tpu.memory_space<semaphore_mem>>
        %dma_start3A_110 = arith.constant 0 : i32
        %dma_start3A_111 = tpu.memref_slice %arg4[%add3A_75, %dma_start3A_110] : memref<163840x128xf32, #tpu.memory_space<hbm>> -> memref<128x128xf32, #tpu.memory_space<hbm>>
        %dma_start3A_112 = arith.constant 0 : i32
        %dma_start3A_113 = tpu.memref_slice %arg4[%add3A_75, %dma_start3A_112] : memref<163840x128xf32, #tpu.memory_space<hbm>> -> memref<128x128xf32, #tpu.memory_space<hbm>>
        tpu.enqueue_dma source(%arg11 : memref<128x128xf32, #tpu.memory_space<vmem>>) target(%dma_start3A_113 : memref<128x128xf32, #tpu.memory_space<hbm>>) target_semaphore(%run_scoped3A : memref<!tpu.dma_semaphore, #tpu.memory_space<semaphore_mem>>)
        %dma_wait3A_114 = arith.constant 0 : i32
        %dma_wait3A_115 = tpu.memref_slice %arg4[%add3A_75, %dma_wait3A_114] : memref<163840x128xf32, #tpu.memory_space<hbm>> -> memref<128x128xf32, #tpu.memory_space<hbm>>
        %dma_wait3A_116 = arith.constant 0 : i32
        %dma_wait3A_117 = tpu.memref_slice %arg4[%add3A_75, %dma_wait3A_116] : memref<163840x128xf32, #tpu.memory_space<hbm>> -> memref<128x128xf32, #tpu.memory_space<hbm>>
        tpu.wait_dma2 semaphore(%run_scoped3A : memref<!tpu.dma_semaphore, #tpu.memory_space<semaphore_mem>>) src(%arg11 : memref<128x128xf32, #tpu.memory_space<vmem>>) dst(%dma_wait3A_117 : memref<128x128xf32, #tpu.memory_space<hbm>>)
        tpu.yield
      }) : () -> ()
      %mul3A_79 = arith.constant 5 : i32
      %mul3A_80 = arith.muli %mul3A_79, %scan3A_9 : i32
      %add3A_81 = arith.constant 2 : i32
      %add3A_82 = arith.addi %mul3A_80, %add3A_81 : i32
      %mul3A_83 = arith.constant 128 : i32
      %mul3A_84 = arith.muli %add3A_82, %mul3A_83 : i32
      %add3A_85 = arith.addi %mul3A_2, %mul3A_84 : i32
      %dma_wait3A_86 = arith.constant 0 : i32
      %dma_wait3A_87 = arith.constant 0 : i32
      %dma_wait3A_88 = tpu.memref_slice %arg2[%dma_wait3A_86, %dma_wait3A_87] : memref<10240x128xf32, #tpu.memory_space<hbm>> -> memref<10240x128xf32, #tpu.memory_space<hbm>>
      tpu.wait_indirect_dma semaphore(%arg17 : memref<!tpu.dma_semaphore, #tpu.memory_space<semaphore_mem>>) src(%dma_wait3A_88 : memref<10240x128xf32, #tpu.memory_space<hbm>>) dst(%arg12 : memref<128x128xf32, #tpu.memory_space<vmem>>)
      "tpu.region"() ({
        %run_scoped3A = tpu.sem_alloc : memref<!tpu.dma_semaphore, #tpu.memory_space<semaphore_mem>>
        %dma_start3A_110 = arith.constant 0 : i32
        %dma_start3A_111 = tpu.memref_slice %arg4[%add3A_85, %dma_start3A_110] : memref<163840x128xf32, #tpu.memory_space<hbm>> -> memref<128x128xf32, #tpu.memory_space<hbm>>
        %dma_start3A_112 = arith.constant 0 : i32
        %dma_start3A_113 = tpu.memref_slice %arg4[%add3A_85, %dma_start3A_112] : memref<163840x128xf32, #tpu.memory_space<hbm>> -> memref<128x128xf32, #tpu.memory_space<hbm>>
        tpu.enqueue_dma source(%arg12 : memref<128x128xf32, #tpu.memory_space<vmem>>) target(%dma_start3A_113 : memref<128x128xf32, #tpu.memory_space<hbm>>) target_semaphore(%run_scoped3A : memref<!tpu.dma_semaphore, #tpu.memory_space<semaphore_mem>>)
        %dma_wait3A_114 = arith.constant 0 : i32
        %dma_wait3A_115 = tpu.memref_slice %arg4[%add3A_85, %dma_wait3A_114] : memref<163840x128xf32, #tpu.memory_space<hbm>> -> memref<128x128xf32, #tpu.memory_space<hbm>>
        %dma_wait3A_116 = arith.constant 0 : i32
        %dma_wait3A_117 = tpu.memref_slice %arg4[%add3A_85, %dma_wait3A_116] : memref<163840x128xf32, #tpu.memory_space<hbm>> -> memref<128x128xf32, #tpu.memory_space<hbm>>
        tpu.wait_dma2 semaphore(%run_scoped3A : memref<!tpu.dma_semaphore, #tpu.memory_space<semaphore_mem>>) src(%arg12 : memref<128x128xf32, #tpu.memory_space<vmem>>) dst(%dma_wait3A_117 : memref<128x128xf32, #tpu.memory_space<hbm>>)
        tpu.yield
      }) : () -> ()
      %mul3A_89 = arith.constant 5 : i32
      %mul3A_90 = arith.muli %mul3A_89, %scan3A_9 : i32
      %add3A_91 = arith.constant 3 : i32
      %add3A_92 = arith.addi %mul3A_90, %add3A_91 : i32
      %mul3A_93 = arith.constant 128 : i32
      %mul3A_94 = arith.muli %add3A_92, %mul3A_93 : i32
      %add3A_95 = arith.addi %mul3A_2, %mul3A_94 : i32
      %dma_wait3A_96 = arith.constant 0 : i32
      %dma_wait3A_97 = arith.constant 0 : i32
      %dma_wait3A_98 = tpu.memref_slice %arg2[%dma_wait3A_96, %dma_wait3A_97] : memref<10240x128xf32, #tpu.memory_space<hbm>> -> memref<10240x128xf32, #tpu.memory_space<hbm>>
      tpu.wait_indirect_dma semaphore(%arg18 : memref<!tpu.dma_semaphore, #tpu.memory_space<semaphore_mem>>) src(%dma_wait3A_98 : memref<10240x128xf32, #tpu.memory_space<hbm>>) dst(%arg13 : memref<128x128xf32, #tpu.memory_space<vmem>>)
      "tpu.region"() ({
        %run_scoped3A = tpu.sem_alloc : memref<!tpu.dma_semaphore, #tpu.memory_space<semaphore_mem>>
        %dma_start3A_110 = arith.constant 0 : i32
        %dma_start3A_111 = tpu.memref_slice %arg4[%add3A_95, %dma_start3A_110] : memref<163840x128xf32, #tpu.memory_space<hbm>> -> memref<128x128xf32, #tpu.memory_space<hbm>>
        %dma_start3A_112 = arith.constant 0 : i32
        %dma_start3A_113 = tpu.memref_slice %arg4[%add3A_95, %dma_start3A_112] : memref<163840x128xf32, #tpu.memory_space<hbm>> -> memref<128x128xf32, #tpu.memory_space<hbm>>
        tpu.enqueue_dma source(%arg13 : memref<128x128xf32, #tpu.memory_space<vmem>>) target(%dma_start3A_113 : memref<128x128xf32, #tpu.memory_space<hbm>>) target_semaphore(%run_scoped3A : memref<!tpu.dma_semaphore, #tpu.memory_space<semaphore_mem>>)
        %dma_wait3A_114 = arith.constant 0 : i32
        %dma_wait3A_115 = tpu.memref_slice %arg4[%add3A_95, %dma_wait3A_114] : memref<163840x128xf32, #tpu.memory_space<hbm>> -> memref<128x128xf32, #tpu.memory_space<hbm>>
        %dma_wait3A_116 = arith.constant 0 : i32
        %dma_wait3A_117 = tpu.memref_slice %arg4[%add3A_95, %dma_wait3A_116] : memref<163840x128xf32, #tpu.memory_space<hbm>> -> memref<128x128xf32, #tpu.memory_space<hbm>>
        tpu.wait_dma2 semaphore(%run_scoped3A : memref<!tpu.dma_semaphore, #tpu.memory_space<semaphore_mem>>) src(%arg13 : memref<128x128xf32, #tpu.memory_space<vmem>>) dst(%dma_wait3A_117 : memref<128x128xf32, #tpu.memory_space<hbm>>)
        tpu.yield
      }) : () -> ()
      %mul3A_99 = arith.constant 5 : i32
      %mul3A_100 = arith.muli %mul3A_99, %scan3A_9 : i32
      %add3A_101 = arith.constant 4 : i32
      %add3A_102 = arith.addi %mul3A_100, %add3A_101 : i32
      %mul3A_103 = arith.constant 128 : i32
      %mul3A_104 = arith.muli %add3A_102, %mul3A_103 : i32
      %add3A_105 = arith.addi %mul3A_2, %mul3A_104 : i32
      %dma_wait3A_106 = arith.constant 0 : i32
      %dma_wait3A_107 = arith.constant 0 : i32
      %dma_wait3A_108 = tpu.memref_slice %arg2[%dma_wait3A_106, %dma_wait3A_107] : memref<10240x128xf32, #tpu.memory_space<hbm>> -> memref<10240x128xf32, #tpu.memory_space<hbm>>
      tpu.wait_indirect_dma semaphore(%arg19 : memref<!tpu.dma_semaphore, #tpu.memory_space<semaphore_mem>>) src(%dma_wait3A_108 : memref<10240x128xf32, #tpu.memory_space<hbm>>) dst(%arg14 : memref<128x128xf32, #tpu.memory_space<vmem>>)
      "tpu.region"() ({
        %run_scoped3A = tpu.sem_alloc : memref<!tpu.dma_semaphore, #tpu.memory_space<semaphore_mem>>
        %dma_start3A_110 = arith.constant 0 : i32
        %dma_start3A_111 = tpu.memref_slice %arg4[%add3A_105, %dma_start3A_110] : memref<163840x128xf32, #tpu.memory_space<hbm>> -> memref<128x128xf32, #tpu.memory_space<hbm>>
        %dma_start3A_112 = arith.constant 0 : i32
        %dma_start3A_113 = tpu.memref_slice %arg4[%add3A_105, %dma_start3A_112] : memref<163840x128xf32, #tpu.memory_space<hbm>> -> memref<128x128xf32, #tpu.memory_space<hbm>>
        tpu.enqueue_dma source(%arg14 : memref<128x128xf32, #tpu.memory_space<vmem>>) target(%dma_start3A_113 : memref<128x128xf32, #tpu.memory_space<hbm>>) target_semaphore(%run_scoped3A : memref<!tpu.dma_semaphore, #tpu.memory_space<semaphore_mem>>)
        %dma_wait3A_114 = arith.constant 0 : i32
        %dma_wait3A_115 = tpu.memref_slice %arg4[%add3A_105, %dma_wait3A_114] : memref<163840x128xf32, #tpu.memory_space<hbm>> -> memref<128x128xf32, #tpu.memory_space<hbm>>
        %dma_wait3A_116 = arith.constant 0 : i32
        %dma_wait3A_117 = tpu.memref_slice %arg4[%add3A_105, %dma_wait3A_116] : memref<163840x128xf32, #tpu.memory_space<hbm>> -> memref<128x128xf32, #tpu.memory_space<hbm>>
        tpu.wait_dma2 semaphore(%run_scoped3A : memref<!tpu.dma_semaphore, #tpu.memory_space<semaphore_mem>>) src(%arg14 : memref<128x128xf32, #tpu.memory_space<vmem>>) dst(%dma_wait3A_117 : memref<128x128xf32, #tpu.memory_space<hbm>>)
        tpu.yield
      }) : () -> ()
      %scan3A_109 = arith.constant 0 : i32
      scf.yield %scan3A_109 : i32
    }
    %scan3A_8 = arith.constant 8 : i32
    return
  }
}

module attributes {stable_mosaic.version = 14 : i64} {
  func.func @_tc1_body(%arg0: i32, %arg1: memref<1x1024x8xf32, #tpu.memory_space<vmem>>, %arg2: memref<1x8x1024xf32, #tpu.memory_space<vmem>>, %arg3: memref<8x32xf32, #tpu.memory_space<vmem>>, %arg4: memref<8x32xf32, #tpu.memory_space<vmem>>, %arg5: memref<8x32xf32, #tpu.memory_space<vmem>>, %arg6: memref<32x32xf32, #tpu.memory_space<vmem>>, %arg7: memref<8x32xf32, #tpu.memory_space<vmem>>, %arg8: memref<32x32xf32, #tpu.memory_space<vmem>>, %arg9: memref<8x32xf32, #tpu.memory_space<vmem>>, %arg10: memref<8x32xf32, #tpu.memory_space<vmem>>, %arg11: memref<1x1024x16xi32, #tpu.memory_space<vmem>>, %arg12: memref<1x1024x128xf32, #tpu.memory_space<vmem>>, %arg13: memref<1x1024x32xf32, #tpu.memory_space<vmem>>, %arg14: memref<1024x32xf32, #tpu.memory_space<vmem>>, %arg15: memref<1024x32xf32, #tpu.memory_space<vmem>>, %arg16: memref<1024x32xf32, #tpu.memory_space<vmem>>) attributes {dimension_semantics = [#tpu.dimension_semantics<arbitrary>], iteration_bounds = array<i64: 10>, scalar_prefetch = 0 : i64, scratch_operands = 3 : i64, tpu.core_type = #tpu.core_type<tc>, window_params = [{transform_indices = @transform_0, window_bounds = array<i64: 1, 1024, 8>}, {transform_indices = @transform_1, window_bounds = array<i64: 1, 8, 1024>}, {pipeline_mode = #tpu.pipeline_mode<synchronous>, transform_indices = @transform_2, window_bounds = array<i64: 8, 32>}, {pipeline_mode = #tpu.pipeline_mode<synchronous>, transform_indices = @transform_3, window_bounds = array<i64: 8, 32>}, {pipeline_mode = #tpu.pipeline_mode<synchronous>, transform_indices = @transform_4, window_bounds = array<i64: 8, 32>}, {pipeline_mode = #tpu.pipeline_mode<synchronous>, transform_indices = @transform_5, window_bounds = array<i64: 32, 32>}, {pipeline_mode = #tpu.pipeline_mode<synchronous>, transform_indices = @transform_6, window_bounds = array<i64: 8, 32>}, {pipeline_mode = #tpu.pipeline_mode<synchronous>, transform_indices = @transform_7, window_bounds = array<i64: 32, 32>}, {pipeline_mode = #tpu.pipeline_mode<synchronous>, transform_indices = @transform_8, window_bounds = array<i64: 8, 32>}, {pipeline_mode = #tpu.pipeline_mode<synchronous>, transform_indices = @transform_9, window_bounds = array<i64: 8, 32>}, {transform_indices = @transform_10, window_bounds = array<i64: 1, 1024, 16>}, {transform_indices = @transform_11, window_bounds = array<i64: 1, 1024, 128>}, {transform_indices = @transform_12, window_bounds = array<i64: 1, 1024, 32>}]} {
    %get3A = arith.constant 0 : index
    %get3A_0 = arith.constant 0 : index
    %get3A_1 = arith.constant 0 : index
    %get3A_2 = vector.load %arg1[%get3A, %get3A_0, %get3A_1] : memref<1x1024x8xf32, #tpu.memory_space<vmem>>, vector<1x1024x8xf32>
    %get3A_3 = vector.shape_cast %get3A_2 : vector<1x1024x8xf32> to vector<1024x8xf32>
    %get3A_4 = arith.constant 0 : index
    %get3A_5 = arith.constant 0 : index
    %get3A_6 = arith.constant 0 : index
    %get3A_7 = vector.load %arg2[%get3A_4, %get3A_5, %get3A_6] : memref<1x8x1024xf32, #tpu.memory_space<vmem>>, vector<1x8x1024xf32>
    %get3A_8 = vector.shape_cast %get3A_7 : vector<1x8x1024xf32> to vector<8x1024xf32>
    %iota3A = tpu.iota {dimensions = array<i32: 1>} : vector<1x1024xi32>
    %mul3A = arith.mulf %get3A_8, %get3A_8 : vector<8x1024xf32>
    %reduce_sum3A = arith.constant dense<0.000000e+00> : vector<1024xf32>
    %reduce_sum3A_9 = vector.multi_reduction <add>, %mul3A, %reduce_sum3A [0] : vector<8x1024xf32> to vector<1024xf32>
    %broadcast_in_dim3A = vector.shape_cast %reduce_sum3A_9 : vector<1024xf32> to vector<1x1024xf32>
    %ge3A = arith.constant 1000 : i32
    %ge3A_10 = vector.broadcast %ge3A : i32 to vector<1x1024xi32>
    %ge3A_11 = arith.cmpi sge, %iota3A, %ge3A_10 : vector<1x1024xi32>
    %jit3A = arith.constant 3.000000e+38 : f32
    %jit3A_12 = arith.constant 0.000000e+00 : f32
    %broadcast_in_dim3A_13 = vector.broadcast %jit3A : f32 to vector<1x1024xf32>
    %broadcast_in_dim3A_14 = vector.broadcast %jit3A_12 : f32 to vector<1x1024xf32>
    %select_n3A = arith.select %ge3A_11, %broadcast_in_dim3A_13, %broadcast_in_dim3A_14 : vector<1x1024xi1>, vector<1x1024xf32>
    %add3A = arith.addf %broadcast_in_dim3A, %select_n3A : vector<1x1024xf32>
    %iota3A_15 = tpu.iota {dimensions = array<i32: 1>} : vector<128x1024xi32>
    %get3A_16 = arith.constant 0 : index
    %get3A_17 = arith.constant 0 : index
    %get3A_18 = vector.load %arg3[%get3A_16, %get3A_17] : memref<8x32xf32, #tpu.memory_space<vmem>>, vector<8x32xf32>
    %dot_general3A = arith.constant dense<0.000000e+00> : vector<1024x32xf32>
    %dot_general3A_19 = tpu.matmul %get3A_3, %get3A_18, %dot_general3A {dimension_numbers = #tpu.dot_dimension_numbers<[1], [0], [0], [1], [0, 0, 1, 1], [], []>, transpose_lhs_hint = false} : vector<1024x8xf32>, vector<8x32xf32>, vector<1024x32xf32> -> vector<1024x32xf32>
    %get3A_20 = arith.constant 0 : index
    %get3A_21 = arith.constant 0 : index
    %get3A_22 = vector.load %arg5[%get3A_20, %get3A_21] : memref<8x32xf32, #tpu.memory_space<vmem>>, vector<1x32xf32>
    %add3A_23 = vector.broadcast %get3A_22 : vector<1x32xf32> to vector<1024x32xf32>
    %add3A_24 = arith.addf %dot_general3A_19, %add3A_23 : vector<1024x32xf32>
    %swap3A = arith.constant 0 : index
    %swap3A_25 = arith.constant 0 : index
    %swap3A_26 = vector.load %arg14[%swap3A, %swap3A_25] : memref<1024x32xf32, #tpu.memory_space<vmem>>, vector<1024x32xf32>
    tpu.vector_store %arg14[%swap3A, %swap3A_25], %add3A_24 {strides = array<i32>} : memref<1024x32xf32, #tpu.memory_space<vmem>>, vector<1024x32xf32>,
    %get3A_27 = arith.constant 0 : index
    %get3A_28 = arith.constant 0 : index
    %get3A_29 = vector.load %arg4[%get3A_27, %get3A_28] : memref<8x32xf32, #tpu.memory_space<vmem>>, vector<8x32xf32>
    %dot_general3A_30 = arith.constant dense<0.000000e+00> : vector<1024x32xf32>
    %dot_general3A_31 = tpu.matmul %get3A_3, %get3A_29, %dot_general3A_30 {dimension_numbers = #tpu.dot_dimension_numbers<[1], [0], [0], [1], [0, 0, 1, 1], [], []>, transpose_lhs_hint = false} : vector<1024x8xf32>, vector<8x32xf32>, vector<1024x32xf32> -> vector<1024x32xf32>
    %swap3A_32 = arith.constant 0 : index
    %swap3A_33 = arith.constant 0 : index
    %swap3A_34 = vector.load %arg15[%swap3A_32, %swap3A_33] : memref<1024x32xf32, #tpu.memory_space<vmem>>, vector<1024x32xf32>
    tpu.vector_store %arg15[%swap3A_32, %swap3A_33], %dot_general3A_31 {strides = array<i32>} : memref<1024x32xf32, #tpu.memory_space<vmem>>, vector<1024x32xf32>,
    %scan3A = arith.constant 0 : i32
    %scan3A_35 = arith.constant 8 : i32
    %scan3A_36 = arith.addi %scan3A, %scan3A_35 : i32
    %scan3A_37 = arith.constant 1 : i32
    scf.for %scan3A_78 = %scan3A to %scan3A_36 step %scan3A_37  : i32 {
      %mul3A_79 = arith.constant 128 : i32
      %mul3A_80 = arith.muli %scan3A_78, %mul3A_79 : i32
      %get3A_81 = arith.constant 0 : index
      %get3A_82 = arith.index_cast %mul3A_80 : i32 to index
      %get3A_83 = arith.constant 0 : index
      %get3A_84 = vector.load %arg1[%get3A_81, %get3A_82, %get3A_83] : memref<1x1024x8xf32, #tpu.memory_space<vmem>>, vector<1x128x8xf32>
      %get3A_85 = vector.shape_cast %get3A_84 : vector<1x128x8xf32> to vector<128x8xf32>
      %mul3A_86 = arith.mulf %get3A_85, %get3A_85 : vector<128x8xf32>
      %reduce_sum3A_87 = arith.constant dense<0.000000e+00> : vector<128xf32>
      %reduce_sum3A_88 = vector.multi_reduction <add>, %mul3A_86, %reduce_sum3A_87 [1] : vector<128x8xf32> to vector<128xf32>
      %broadcast_in_dim3A_89 = vector.shape_cast %reduce_sum3A_88 : vector<128xf32> to vector<128x1xf32>
      %add3A_90 = vector.broadcast %broadcast_in_dim3A_89 : vector<128x1xf32> to vector<128x1024xf32>
      %add3A_91 = vector.broadcast %add3A : vector<1x1024xf32> to vector<128x1024xf32>
      %add3A_92 = arith.addf %add3A_90, %add3A_91 : vector<128x1024xf32>
      %dot_general3A_93 = arith.constant dense<0.000000e+00> : vector<128x1024xf32>
      %dot_general3A_94 = tpu.matmul %get3A_85, %get3A_8, %dot_general3A_93 {dimension_numbers = #tpu.dot_dimension_numbers<[1], [0], [0], [1], [0, 0, 1, 1], [], []>, transpose_lhs_hint = false} : vector<128x8xf32>, vector<8x1024xf32>, vector<128x1024xf32> -> vector<128x1024xf32>
      %mul3A_95 = arith.constant 2.000000e+00 : f32
      %mul3A_96 = vector.broadcast %mul3A_95 : f32 to vector<128x1024xf32>
      %mul3A_97 = arith.mulf %mul3A_96, %dot_general3A_94 : vector<128x1024xf32>
      %sub3A = arith.subf %add3A_92, %mul3A_97 : vector<128x1024xf32>
      %get3A_98 = arith.index_cast %mul3A_80 : i32 to index
      %get3A_99 = arith.constant 0 : index
      %get3A_100 = vector.load %arg15[%get3A_98, %get3A_99] : memref<1024x32xf32, #tpu.memory_space<vmem>>, vector<128x32xf32>
      %bitcast_convert_type3A = tpu.bitcast %sub3A : vector<128x1024xf32> -> vector<128x1024xi32>
      %shift_right_arithmetic3A = arith.constant 31 : i32
      %shift_right_arithmetic3A_101 = vector.broadcast %shift_right_arithmetic3A : i32 to vector<128x1024xi32>
      %shift_right_arithmetic3A_102 = arith.shrsi %bitcast_convert_type3A, %shift_right_arithmetic3A_101 : vector<128x1024xi32>
      %and3A = arith.constant 2147483647 : i32
      %and3A_103 = vector.broadcast %and3A : i32 to vector<128x1024xi32>
      %and3A_104 = arith.andi %shift_right_arithmetic3A_102, %and3A_103 : vector<128x1024xi32>
      %xor3A = arith.xori %bitcast_convert_type3A, %and3A_104 : vector<128x1024xi32>
      %and3A_105 = arith.constant -1024 : i32
      %and3A_106 = vector.broadcast %and3A_105 : i32 to vector<128x1024xi32>
      %and3A_107 = arith.andi %xor3A, %and3A_106 : vector<128x1024xi32>
      %or3A = arith.ori %and3A_107, %iota3A_15 : vector<128x1024xi32>
      %reduce_min3A = arith.constant dense<2147483647> : vector<128xi32>
      %reduce_min3A_108 = vector.multi_reduction <minsi>, %or3A, %reduce_min3A [1] : vector<128x1024xi32> to vector<128xi32>
      %broadcast_in_dim3A_109 = vector.shape_cast %reduce_min3A_108 : vector<128xi32> to vector<128x1xi32>
      %eq3A = vector.broadcast %broadcast_in_dim3A_109 : vector<128x1xi32> to vector<128x1024xi32>
      %eq3A_110 = arith.cmpi eq, %or3A, %eq3A : vector<128x1024xi32>
      %jit3A_111 = arith.constant 2147483647 : i32
      %broadcast_in_dim3A_112 = vector.broadcast %jit3A_111 : i32 to vector<128x1024xi32>
      %select_n3A_113 = arith.select %eq3A_110, %broadcast_in_dim3A_112, %or3A : vector<128x1024xi1>, vector<128x1024xi32>
      %and3A_114 = arith.constant 1023 : i32
      %and3A_115 = vector.broadcast %and3A_114 : i32 to vector<128x1xi32>
      %and3A_116 = arith.andi %broadcast_in_dim3A_109, %and3A_115 : vector<128x1xi32>
      %convert_element_type3A = arith.extui %eq3A_110 : vector<128x1024xi1> to vector<128x1024xi32>
      %convert_element_type3A_117 = arith.sitofp %convert_element_type3A : vector<128x1024xi32> to vector<128x1024xf32>
      %get3A_118 = arith.constant 0 : index
      %get3A_119 = arith.constant 0 : index
      %get3A_120 = vector.load %arg14[%get3A_118, %get3A_119] : memref<1024x32xf32, #tpu.memory_space<vmem>>, vector<1024x32xf32>
      %dot_general3A_121 = arith.constant dense<0.000000e+00> : vector<128x32xf32>
      %dot_general3A_122 = tpu.matmul %convert_element_type3A_117, %get3A_120, %dot_general3A_121 {dimension_numbers = #tpu.dot_dimension_numbers<[1], [0], [0], [1], [0, 0, 1, 1], [], []>, transpose_lhs_hint = false} : vector<128x1024xf32>, vector<1024x32xf32>, vector<128x32xf32> -> vector<128x32xf32>
      %sub3A_123 = arith.subf %dot_general3A_122, %get3A_100 : vector<128x32xf32>
      %max3A = arith.constant 0.000000e+00 : f32
      %max3A_124 = vector.broadcast %max3A : f32 to vector<128x32xf32>
      %max3A_125 = arith.maximumf %sub3A_123, %max3A_124 : vector<128x32xf32>
      %get3A_126 = arith.constant 0 : index
      %get3A_127 = arith.constant 0 : index
      %get3A_128 = vector.load %arg6[%get3A_126, %get3A_127] : memref<32x32xf32, #tpu.memory_space<vmem>>, vector<32x32xf32>
      %dot_general3A_129 = arith.constant dense<0.000000e+00> : vector<128x32xf32>
      %dot_general3A_130 = tpu.matmul %max3A_125, %get3A_128, %dot_general3A_129 {dimension_numbers = #tpu.dot_dimension_numbers<[1], [0], [0], [1], [0, 0, 1, 1], [], []>, transpose_lhs_hint = false} : vector<128x32xf32>, vector<32x32xf32>, vector<128x32xf32> -> vector<128x32xf32>
      %reduce_min3A_131 = arith.constant dense<2147483647> : vector<128xi32>
      %reduce_min3A_132 = vector.multi_reduction <minsi>, %select_n3A_113, %reduce_min3A_131 [1] : vector<128x1024xi32> to vector<128xi32>
      %broadcast_in_dim3A_133 = vector.shape_cast %reduce_min3A_132 : vector<128xi32> to vector<128x1xi32>
      %eq3A_134 = vector.broadcast %broadcast_in_dim3A_133 : vector<128x1xi32> to vector<128x1024xi32>
      %eq3A_135 = arith.cmpi eq, %select_n3A_113, %eq3A_134 : vector<128x1024xi32>
      %jit3A_136 = arith.constant 2147483647 : i32
      %broadcast_in_dim3A_137 = vector.broadcast %jit3A_136 : i32 to vector<128x1024xi32>
      %select_n3A_138 = arith.select %eq3A_135, %broadcast_in_dim3A_137, %select_n3A_113 : vector<128x1024xi1>, vector<128x1024xi32>
      %and3A_139 = arith.constant 1023 : i32
      %and3A_140 = vector.broadcast %and3A_139 : i32 to vector<128x1xi32>
      %and3A_141 = arith.andi %broadcast_in_dim3A_133, %and3A_140 : vector<128x1xi32>
      %convert_element_type3A_142 = arith.extui %eq3A_135 : vector<128x1024xi1> to vector<128x1024xi32>
      %convert_element_type3A_143 = arith.sitofp %convert_element_type3A_142 : vector<128x1024xi32> to vector<128x1024xf32>
      %get3A_144 = arith.constant 0 : index
      %get3A_145 = arith.constant 0 : index
      %get3A_146 = vector.load %arg14[%get3A_144, %get3A_145] : memref<1024x32xf32, #tpu.memory_space<vmem>>, vector<1024x32xf32>
      %dot_general3A_147 = arith.constant dense<0.000000e+00> : vector<128x32xf32>
      %dot_general3A_148 = tpu.matmul %convert_element_type3A_143, %get3A_146, %dot_general3A_147 {dimension_numbers = #tpu.dot_dimension_numbers<[1], [0], [0], [1], [0, 0, 1, 1], [], []>, transpose_lhs_hint = false} : vector<128x1024xf32>, vector<1024x32xf32>, vector<128x32xf32> -> vector<128x32xf32>
      %sub3A_149 = arith.subf %dot_general3A_148, %get3A_100 : vector<128x32xf32>
      %max3A_150 = arith.constant 0.000000e+00 : f32
      %max3A_151 = vector.broadcast %max3A_150 : f32 to vector<128x32xf32>
      %max3A_152 = arith.maximumf %sub3A_149, %max3A_151 : vector<128x32xf32>
      %get3A_153 = arith.constant 0 : index
      %get3A_154 = arith.constant 0 : index
      %get3A_155 = vector.load %arg6[%get3A_153, %get3A_154] : memref<32x32xf32, #tpu.memory_space<vmem>>, vector<32x32xf32>
      %dot_general3A_156 = arith.constant dense<0.000000e+00> : vector<128x32xf32>
      %dot_general3A_157 = tpu.matmul %max3A_152, %get3A_155, %dot_general3A_156 {dimension_numbers = #tpu.dot_dimension_numbers<[1], [0], [0], [1], [0, 0, 1, 1], [], []>, transpose_lhs_hint = false} : vector<128x32xf32>, vector<32x32xf32>, vector<128x32xf32> -> vector<128x32xf32>
      %max3A_158 = arith.maximumf %dot_general3A_130, %dot_general3A_157 : vector<128x32xf32>
      %reduce_min3A_159 = arith.constant dense<2147483647> : vector<128xi32>
      %reduce_min3A_160 = vector.multi_reduction <minsi>, %select_n3A_138, %reduce_min3A_159 [1] : vector<128x1024xi32> to vector<128xi32>
      %broadcast_in_dim3A_161 = vector.shape_cast %reduce_min3A_160 : vector<128xi32> to vector<128x1xi32>
      %eq3A_162 = vector.broadcast %broadcast_in_dim3A_161 : vector<128x1xi32> to vector<128x1024xi32>
      %eq3A_163 = arith.cmpi eq, %select_n3A_138, %eq3A_162 : vector<128x1024xi32>
      %jit3A_164 = arith.constant 2147483647 : i32
      %broadcast_in_dim3A_165 = vector.broadcast %jit3A_164 : i32 to vector<128x1024xi32>
      %select_n3A_166 = arith.select %eq3A_163, %broadcast_in_dim3A_165, %select_n3A_138 : vector<128x1024xi1>, vector<128x1024xi32>
      %and3A_167 = arith.constant 1023 : i32
      %and3A_168 = vector.broadcast %and3A_167 : i32 to vector<128x1xi32>
      %and3A_169 = arith.andi %broadcast_in_dim3A_161, %and3A_168 : vector<128x1xi32>
      %convert_element_type3A_170 = arith.extui %eq3A_163 : vector<128x1024xi1> to vector<128x1024xi32>
      %convert_element_type3A_171 = arith.sitofp %convert_element_type3A_170 : vector<128x1024xi32> to vector<128x1024xf32>
      %get3A_172 = arith.constant 0 : index
      %get3A_173 = arith.constant 0 : index
      %get3A_174 = vector.load %arg14[%get3A_172, %get3A_173] : memref<1024x32xf32, #tpu.memory_space<vmem>>, vector<1024x32xf32>
      %dot_general3A_175 = arith.constant dense<0.000000e+00> : vector<128x32xf32>
      %dot_general3A_176 = tpu.matmul %convert_element_type3A_171, %get3A_174, %dot_general3A_175 {dimension_numbers = #tpu.dot_dimension_numbers<[1], [0], [0], [1], [0, 0, 1, 1], [], []>, transpose_lhs_hint = false} : vector<128x1024xf32>, vector<1024x32xf32>, vector<128x32xf32> -> vector<128x32xf32>
      %sub3A_177 = arith.subf %dot_general3A_176, %get3A_100 : vector<128x32xf32>
      %max3A_178 = arith.constant 0.000000e+00 : f32
      %max3A_179 = vector.broadcast %max3A_178 : f32 to vector<128x32xf32>
      %max3A_180 = arith.maximumf %sub3A_177, %max3A_179 : vector<128x32xf32>
      %get3A_181 = arith.constant 0 : index
      %get3A_182 = arith.constant 0 : index
      %get3A_183 = vector.load %arg6[%get3A_181, %get3A_182] : memref<32x32xf32, #tpu.memory_space<vmem>>, vector<32x32xf32>
      %dot_general3A_184 = arith.constant dense<0.000000e+00> : vector<128x32xf32>
      %dot_general3A_185 = tpu.matmul %max3A_180, %get3A_183, %dot_general3A_184 {dimension_numbers = #tpu.dot_dimension_numbers<[1], [0], [0], [1], [0, 0, 1, 1], [], []>, transpose_lhs_hint = false} : vector<128x32xf32>, vector<32x32xf32>, vector<128x32xf32> -> vector<128x32xf32>
      %max3A_186 = arith.maximumf %max3A_158, %dot_general3A_185 : vector<128x32xf32>
      %reduce_min3A_187 = arith.constant dense<2147483647> : vector<128xi32>
      %reduce_min3A_188 = vector.multi_reduction <minsi>, %select_n3A_166, %reduce_min3A_187 [1] : vector<128x1024xi32> to vector<128xi32>
      %broadcast_in_dim3A_189 = vector.shape_cast %reduce_min3A_188 : vector<128xi32> to vector<128x1xi32>
      %eq3A_190 = vector.broadcast %broadcast_in_dim3A_189 : vector<128x1xi32> to vector<128x1024xi32>
      %eq3A_191 = arith.cmpi eq, %select_n3A_166, %eq3A_190 : vector<128x1024xi32>
      %jit3A_192 = arith.constant 2147483647 : i32
      %broadcast_in_dim3A_193 = vector.broadcast %jit3A_192 : i32 to vector<128x1024xi32>
      %select_n3A_194 = arith.select %eq3A_191, %broadcast_in_dim3A_193, %select_n3A_166 : vector<128x1024xi1>, vector<128x1024xi32>
      %and3A_195 = arith.constant 1023 : i32
      %and3A_196 = vector.broadcast %and3A_195 : i32 to vector<128x1xi32>
      %and3A_197 = arith.andi %broadcast_in_dim3A_189, %and3A_196 : vector<128x1xi32>
      %convert_element_type3A_198 = arith.extui %eq3A_191 : vector<128x1024xi1> to vector<128x1024xi32>
      %convert_element_type3A_199 = arith.sitofp %convert_element_type3A_198 : vector<128x1024xi32> to vector<128x1024xf32>
      %get3A_200 = arith.constant 0 : index
      %get3A_201 = arith.constant 0 : index
      %get3A_202 = vector.load %arg14[%get3A_200, %get3A_201] : memref<1024x32xf32, #tpu.memory_space<vmem>>, vector<1024x32xf32>
      %dot_general3A_203 = arith.constant dense<0.000000e+00> : vector<128x32xf32>
      %dot_general3A_204 = tpu.matmul %convert_element_type3A_199, %get3A_202, %dot_general3A_203 {dimension_numbers = #tpu.dot_dimension_numbers<[1], [0], [0], [1], [0, 0, 1, 1], [], []>, transpose_lhs_hint = false} : vector<128x1024xf32>, vector<1024x32xf32>, vector<128x32xf32> -> vector<128x32xf32>
      %sub3A_205 = arith.subf %dot_general3A_204, %get3A_100 : vector<128x32xf32>
      %max3A_206 = arith.constant 0.000000e+00 : f32
      %max3A_207 = vector.broadcast %max3A_206 : f32 to vector<128x32xf32>
      %max3A_208 = arith.maximumf %sub3A_205, %max3A_207 : vector<128x32xf32>
      %get3A_209 = arith.constant 0 : index
      %get3A_210 = arith.constant 0 : index
      %get3A_211 = vector.load %arg6[%get3A_209, %get3A_210] : memref<32x32xf32, #tpu.memory_space<vmem>>, vector<32x32xf32>
      %dot_general3A_212 = arith.constant dense<0.000000e+00> : vector<128x32xf32>
      %dot_general3A_213 = tpu.matmul %max3A_208, %get3A_211, %dot_general3A_212 {dimension_numbers = #tpu.dot_dimension_numbers<[1], [0], [0], [1], [0, 0, 1, 1], [], []>, transpose_lhs_hint = false} : vector<128x32xf32>, vector<32x32xf32>, vector<128x32xf32> -> vector<128x32xf32>
      %max3A_214 = arith.maximumf %max3A_186, %dot_general3A_213 : vector<128x32xf32>
      %reduce_min3A_215 = arith.constant dense<2147483647> : vector<128xi32>
      %reduce_min3A_216 = vector.multi_reduction <minsi>, %select_n3A_194, %reduce_min3A_215 [1] : vector<128x1024xi32> to vector<128xi32>
      %broadcast_in_dim3A_217 = vector.shape_cast %reduce_min3A_216 : vector<128xi32> to vector<128x1xi32>
      %eq3A_218 = vector.broadcast %broadcast_in_dim3A_217 : vector<128x1xi32> to vector<128x1024xi32>
      %eq3A_219 = arith.cmpi eq, %select_n3A_194, %eq3A_218 : vector<128x1024xi32>
      %jit3A_220 = arith.constant 2147483647 : i32
      %broadcast_in_dim3A_221 = vector.broadcast %jit3A_220 : i32 to vector<128x1024xi32>
      %select_n3A_222 = arith.select %eq3A_219, %broadcast_in_dim3A_221, %select_n3A_194 : vector<128x1024xi1>, vector<128x1024xi32>
      %and3A_223 = arith.constant 1023 : i32
      %and3A_224 = vector.broadcast %and3A_223 : i32 to vector<128x1xi32>
      %and3A_225 = arith.andi %broadcast_in_dim3A_217, %and3A_224 : vector<128x1xi32>
      %convert_element_type3A_226 = arith.extui %eq3A_219 : vector<128x1024xi1> to vector<128x1024xi32>
      %convert_element_type3A_227 = arith.sitofp %convert_element_type3A_226 : vector<128x1024xi32> to vector<128x1024xf32>
      %get3A_228 = arith.constant 0 : index
      %get3A_229 = arith.constant 0 : index
      %get3A_230 = vector.load %arg14[%get3A_228, %get3A_229] : memref<1024x32xf32, #tpu.memory_space<vmem>>, vector<1024x32xf32>
      %dot_general3A_231 = arith.constant dense<0.000000e+00> : vector<128x32xf32>
      %dot_general3A_232 = tpu.matmul %convert_element_type3A_227, %get3A_230, %dot_general3A_231 {dimension_numbers = #tpu.dot_dimension_numbers<[1], [0], [0], [1], [0, 0, 1, 1], [], []>, transpose_lhs_hint = false} : vector<128x1024xf32>, vector<1024x32xf32>, vector<128x32xf32> -> vector<128x32xf32>
      %sub3A_233 = arith.subf %dot_general3A_232, %get3A_100 : vector<128x32xf32>
      %max3A_234 = arith.constant 0.000000e+00 : f32
      %max3A_235 = vector.broadcast %max3A_234 : f32 to vector<128x32xf32>
      %max3A_236 = arith.maximumf %sub3A_233, %max3A_235 : vector<128x32xf32>
      %get3A_237 = arith.constant 0 : index
      %get3A_238 = arith.constant 0 : index
      %get3A_239 = vector.load %arg6[%get3A_237, %get3A_238] : memref<32x32xf32, #tpu.memory_space<vmem>>, vector<32x32xf32>
      %dot_general3A_240 = arith.constant dense<0.000000e+00> : vector<128x32xf32>
      %dot_general3A_241 = tpu.matmul %max3A_236, %get3A_239, %dot_general3A_240 {dimension_numbers = #tpu.dot_dimension_numbers<[1], [0], [0], [1], [0, 0, 1, 1], [], []>, transpose_lhs_hint = false} : vector<128x32xf32>, vector<32x32xf32>, vector<128x32xf32> -> vector<128x32xf32>
      %max3A_242 = arith.maximumf %max3A_214, %dot_general3A_241 : vector<128x32xf32>
      %reduce_min3A_243 = arith.constant dense<2147483647> : vector<128xi32>
      %reduce_min3A_244 = vector.multi_reduction <minsi>, %select_n3A_222, %reduce_min3A_243 [1] : vector<128x1024xi32> to vector<128xi32>
      %broadcast_in_dim3A_245 = vector.shape_cast %reduce_min3A_244 : vector<128xi32> to vector<128x1xi32>
      %eq3A_246 = vector.broadcast %broadcast_in_dim3A_245 : vector<128x1xi32> to vector<128x1024xi32>
      %eq3A_247 = arith.cmpi eq, %select_n3A_222, %eq3A_246 : vector<128x1024xi32>
      %jit3A_248 = arith.constant 2147483647 : i32
      %broadcast_in_dim3A_249 = vector.broadcast %jit3A_248 : i32 to vector<128x1024xi32>
      %select_n3A_250 = arith.select %eq3A_247, %broadcast_in_dim3A_249, %select_n3A_222 : vector<128x1024xi1>, vector<128x1024xi32>
      %and3A_251 = arith.constant 1023 : i32
      %and3A_252 = vector.broadcast %and3A_251 : i32 to vector<128x1xi32>
      %and3A_253 = arith.andi %broadcast_in_dim3A_245, %and3A_252 : vector<128x1xi32>
      %convert_element_type3A_254 = arith.extui %eq3A_247 : vector<128x1024xi1> to vector<128x1024xi32>
      %convert_element_type3A_255 = arith.sitofp %convert_element_type3A_254 : vector<128x1024xi32> to vector<128x1024xf32>
      %get3A_256 = arith.constant 0 : index
      %get3A_257 = arith.constant 0 : index
      %get3A_258 = vector.load %arg14[%get3A_256, %get3A_257] : memref<1024x32xf32, #tpu.memory_space<vmem>>, vector<1024x32xf32>
      %dot_general3A_259 = arith.constant dense<0.000000e+00> : vector<128x32xf32>
      %dot_general3A_260 = tpu.matmul %convert_element_type3A_255, %get3A_258, %dot_general3A_259 {dimension_numbers = #tpu.dot_dimension_numbers<[1], [0], [0], [1], [0, 0, 1, 1], [], []>, transpose_lhs_hint = false} : vector<128x1024xf32>, vector<1024x32xf32>, vector<128x32xf32> -> vector<128x32xf32>
      %sub3A_261 = arith.subf %dot_general3A_260, %get3A_100 : vector<128x32xf32>
      %max3A_262 = arith.constant 0.000000e+00 : f32
      %max3A_263 = vector.broadcast %max3A_262 : f32 to vector<128x32xf32>
      %max3A_264 = arith.maximumf %sub3A_261, %max3A_263 : vector<128x32xf32>
      %get3A_265 = arith.constant 0 : index
      %get3A_266 = arith.constant 0 : index
      %get3A_267 = vector.load %arg6[%get3A_265, %get3A_266] : memref<32x32xf32, #tpu.memory_space<vmem>>, vector<32x32xf32>
      %dot_general3A_268 = arith.constant dense<0.000000e+00> : vector<128x32xf32>
      %dot_general3A_269 = tpu.matmul %max3A_264, %get3A_267, %dot_general3A_268 {dimension_numbers = #tpu.dot_dimension_numbers<[1], [0], [0], [1], [0, 0, 1, 1], [], []>, transpose_lhs_hint = false} : vector<128x32xf32>, vector<32x32xf32>, vector<128x32xf32> -> vector<128x32xf32>
      %max3A_270 = arith.maximumf %max3A_242, %dot_general3A_269 : vector<128x32xf32>
      %reduce_min3A_271 = arith.constant dense<2147483647> : vector<128xi32>
      %reduce_min3A_272 = vector.multi_reduction <minsi>, %select_n3A_250, %reduce_min3A_271 [1] : vector<128x1024xi32> to vector<128xi32>
      %broadcast_in_dim3A_273 = vector.shape_cast %reduce_min3A_272 : vector<128xi32> to vector<128x1xi32>
      %eq3A_274 = vector.broadcast %broadcast_in_dim3A_273 : vector<128x1xi32> to vector<128x1024xi32>
      %eq3A_275 = arith.cmpi eq, %select_n3A_250, %eq3A_274 : vector<128x1024xi32>
      %jit3A_276 = arith.constant 2147483647 : i32
      %broadcast_in_dim3A_277 = vector.broadcast %jit3A_276 : i32 to vector<128x1024xi32>
      %select_n3A_278 = arith.select %eq3A_275, %broadcast_in_dim3A_277, %select_n3A_250 : vector<128x1024xi1>, vector<128x1024xi32>
      %and3A_279 = arith.constant 1023 : i32
      %and3A_280 = vector.broadcast %and3A_279 : i32 to vector<128x1xi32>
      %and3A_281 = arith.andi %broadcast_in_dim3A_273, %and3A_280 : vector<128x1xi32>
      %convert_element_type3A_282 = arith.extui %eq3A_275 : vector<128x1024xi1> to vector<128x1024xi32>
      %convert_element_type3A_283 = arith.sitofp %convert_element_type3A_282 : vector<128x1024xi32> to vector<128x1024xf32>
      %get3A_284 = arith.constant 0 : index
      %get3A_285 = arith.constant 0 : index
      %get3A_286 = vector.load %arg14[%get3A_284, %get3A_285] : memref<1024x32xf32, #tpu.memory_space<vmem>>, vector<1024x32xf32>
      %dot_general3A_287 = arith.constant dense<0.000000e+00> : vector<128x32xf32>
      %dot_general3A_288 = tpu.matmul %convert_element_type3A_283, %get3A_286, %dot_general3A_287 {dimension_numbers = #tpu.dot_dimension_numbers<[1], [0], [0], [1], [0, 0, 1, 1], [], []>, transpose_lhs_hint = false} : vector<128x1024xf32>, vector<1024x32xf32>, vector<128x32xf32> -> vector<128x32xf32>
      %sub3A_289 = arith.subf %dot_general3A_288, %get3A_100 : vector<128x32xf32>
      %max3A_290 = arith.constant 0.000000e+00 : f32
      %max3A_291 = vector.broadcast %max3A_290 : f32 to vector<128x32xf32>
      %max3A_292 = arith.maximumf %sub3A_289, %max3A_291 : vector<128x32xf32>
      %get3A_293 = arith.constant 0 : index
      %get3A_294 = arith.constant 0 : index
      %get3A_295 = vector.load %arg6[%get3A_293, %get3A_294] : memref<32x32xf32, #tpu.memory_space<vmem>>, vector<32x32xf32>
      %dot_general3A_296 = arith.constant dense<0.000000e+00> : vector<128x32xf32>
      %dot_general3A_297 = tpu.matmul %max3A_292, %get3A_295, %dot_general3A_296 {dimension_numbers = #tpu.dot_dimension_numbers<[1], [0], [0], [1], [0, 0, 1, 1], [], []>, transpose_lhs_hint = false} : vector<128x32xf32>, vector<32x32xf32>, vector<128x32xf32> -> vector<128x32xf32>
      %max3A_298 = arith.maximumf %max3A_270, %dot_general3A_297 : vector<128x32xf32>
      %reduce_min3A_299 = arith.constant dense<2147483647> : vector<128xi32>
      %reduce_min3A_300 = vector.multi_reduction <minsi>, %select_n3A_278, %reduce_min3A_299 [1] : vector<128x1024xi32> to vector<128xi32>
      %broadcast_in_dim3A_301 = vector.shape_cast %reduce_min3A_300 : vector<128xi32> to vector<128x1xi32>
      %eq3A_302 = vector.broadcast %broadcast_in_dim3A_301 : vector<128x1xi32> to vector<128x1024xi32>
      %eq3A_303 = arith.cmpi eq, %select_n3A_278, %eq3A_302 : vector<128x1024xi32>
      %jit3A_304 = arith.constant 2147483647 : i32
      %broadcast_in_dim3A_305 = vector.broadcast %jit3A_304 : i32 to vector<128x1024xi32>
      %select_n3A_306 = arith.select %eq3A_303, %broadcast_in_dim3A_305, %select_n3A_278 : vector<128x1024xi1>, vector<128x1024xi32>
      %and3A_307 = arith.constant 1023 : i32
      %and3A_308 = vector.broadcast %and3A_307 : i32 to vector<128x1xi32>
      %and3A_309 = arith.andi %broadcast_in_dim3A_301, %and3A_308 : vector<128x1xi32>
      %convert_element_type3A_310 = arith.extui %eq3A_303 : vector<128x1024xi1> to vector<128x1024xi32>
      %convert_element_type3A_311 = arith.sitofp %convert_element_type3A_310 : vector<128x1024xi32> to vector<128x1024xf32>
      %get3A_312 = arith.constant 0 : index
      %get3A_313 = arith.constant 0 : index
      %get3A_314 = vector.load %arg14[%get3A_312, %get3A_313] : memref<1024x32xf32, #tpu.memory_space<vmem>>, vector<1024x32xf32>
      %dot_general3A_315 = arith.constant dense<0.000000e+00> : vector<128x32xf32>
      %dot_general3A_316 = tpu.matmul %convert_element_type3A_311, %get3A_314, %dot_general3A_315 {dimension_numbers = #tpu.dot_dimension_numbers<[1], [0], [0], [1], [0, 0, 1, 1], [], []>, transpose_lhs_hint = false} : vector<128x1024xf32>, vector<1024x32xf32>, vector<128x32xf32> -> vector<128x32xf32>
      %sub3A_317 = arith.subf %dot_general3A_316, %get3A_100 : vector<128x32xf32>
      %max3A_318 = arith.constant 0.000000e+00 : f32
      %max3A_319 = vector.broadcast %max3A_318 : f32 to vector<128x32xf32>
      %max3A_320 = arith.maximumf %sub3A_317, %max3A_319 : vector<128x32xf32>
      %get3A_321 = arith.constant 0 : index
      %get3A_322 = arith.constant 0 : index
      %get3A_323 = vector.load %arg6[%get3A_321, %get3A_322] : memref<32x32xf32, #tpu.memory_space<vmem>>, vector<32x32xf32>
      %dot_general3A_324 = arith.constant dense<0.000000e+00> : vector<128x32xf32>
      %dot_general3A_325 = tpu.matmul %max3A_320, %get3A_323, %dot_general3A_324 {dimension_numbers = #tpu.dot_dimension_numbers<[1], [0], [0], [1], [0, 0, 1, 1], [], []>, transpose_lhs_hint = false} : vector<128x32xf32>, vector<32x32xf32>, vector<128x32xf32> -> vector<128x32xf32>
      %max3A_326 = arith.maximumf %max3A_298, %dot_general3A_325 : vector<128x32xf32>
      %reduce_min3A_327 = arith.constant dense<2147483647> : vector<128xi32>
      %reduce_min3A_328 = vector.multi_reduction <minsi>, %select_n3A_306, %reduce_min3A_327 [1] : vector<128x1024xi32> to vector<128xi32>
      %broadcast_in_dim3A_329 = vector.shape_cast %reduce_min3A_328 : vector<128xi32> to vector<128x1xi32>
      %eq3A_330 = vector.broadcast %broadcast_in_dim3A_329 : vector<128x1xi32> to vector<128x1024xi32>
      %eq3A_331 = arith.cmpi eq, %select_n3A_306, %eq3A_330 : vector<128x1024xi32>
      %jit3A_332 = arith.constant 2147483647 : i32
      %broadcast_in_dim3A_333 = vector.broadcast %jit3A_332 : i32 to vector<128x1024xi32>
      %select_n3A_334 = arith.select %eq3A_331, %broadcast_in_dim3A_333, %select_n3A_306 : vector<128x1024xi1>, vector<128x1024xi32>
      %and3A_335 = arith.constant 1023 : i32
      %and3A_336 = vector.broadcast %and3A_335 : i32 to vector<128x1xi32>
      %and3A_337 = arith.andi %broadcast_in_dim3A_329, %and3A_336 : vector<128x1xi32>
      %convert_element_type3A_338 = arith.extui %eq3A_331 : vector<128x1024xi1> to vector<128x1024xi32>
      %convert_element_type3A_339 = arith.sitofp %convert_element_type3A_338 : vector<128x1024xi32> to vector<128x1024xf32>
      %get3A_340 = arith.constant 0 : index
      %get3A_341 = arith.constant 0 : index
      %get3A_342 = vector.load %arg14[%get3A_340, %get3A_341] : memref<1024x32xf32, #tpu.memory_space<vmem>>, vector<1024x32xf32>
      %dot_general3A_343 = arith.constant dense<0.000000e+00> : vector<128x32xf32>
      %dot_general3A_344 = tpu.matmul %convert_element_type3A_339, %get3A_342, %dot_general3A_343 {dimension_numbers = #tpu.dot_dimension_numbers<[1], [0], [0], [1], [0, 0, 1, 1], [], []>, transpose_lhs_hint = false} : vector<128x1024xf32>, vector<1024x32xf32>, vector<128x32xf32> -> vector<128x32xf32>
      %sub3A_345 = arith.subf %dot_general3A_344, %get3A_100 : vector<128x32xf32>
      %max3A_346 = arith.constant 0.000000e+00 : f32
      %max3A_347 = vector.broadcast %max3A_346 : f32 to vector<128x32xf32>
      %max3A_348 = arith.maximumf %sub3A_345, %max3A_347 : vector<128x32xf32>
      %get3A_349 = arith.constant 0 : index
      %get3A_350 = arith.constant 0 : index
      %get3A_351 = vector.load %arg6[%get3A_349, %get3A_350] : memref<32x32xf32, #tpu.memory_space<vmem>>, vector<32x32xf32>
      %dot_general3A_352 = arith.constant dense<0.000000e+00> : vector<128x32xf32>
      %dot_general3A_353 = tpu.matmul %max3A_348, %get3A_351, %dot_general3A_352 {dimension_numbers = #tpu.dot_dimension_numbers<[1], [0], [0], [1], [0, 0, 1, 1], [], []>, transpose_lhs_hint = false} : vector<128x32xf32>, vector<32x32xf32>, vector<128x32xf32> -> vector<128x32xf32>
      %max3A_354 = arith.maximumf %max3A_326, %dot_general3A_353 : vector<128x32xf32>
      %reduce_min3A_355 = arith.constant dense<2147483647> : vector<128xi32>
      %reduce_min3A_356 = vector.multi_reduction <minsi>, %select_n3A_334, %reduce_min3A_355 [1] : vector<128x1024xi32> to vector<128xi32>
      %broadcast_in_dim3A_357 = vector.shape_cast %reduce_min3A_356 : vector<128xi32> to vector<128x1xi32>
      %eq3A_358 = vector.broadcast %broadcast_in_dim3A_357 : vector<128x1xi32> to vector<128x1024xi32>
      %eq3A_359 = arith.cmpi eq, %select_n3A_334, %eq3A_358 : vector<128x1024xi32>
      %jit3A_360 = arith.constant 2147483647 : i32
      %broadcast_in_dim3A_361 = vector.broadcast %jit3A_360 : i32 to vector<128x1024xi32>
      %select_n3A_362 = arith.select %eq3A_359, %broadcast_in_dim3A_361, %select_n3A_334 : vector<128x1024xi1>, vector<128x1024xi32>
      %and3A_363 = arith.constant 1023 : i32
      %and3A_364 = vector.broadcast %and3A_363 : i32 to vector<128x1xi32>
      %and3A_365 = arith.andi %broadcast_in_dim3A_357, %and3A_364 : vector<128x1xi32>
      %convert_element_type3A_366 = arith.extui %eq3A_359 : vector<128x1024xi1> to vector<128x1024xi32>
      %convert_element_type3A_367 = arith.sitofp %convert_element_type3A_366 : vector<128x1024xi32> to vector<128x1024xf32>
      %get3A_368 = arith.constant 0 : index
      %get3A_369 = arith.constant 0 : index
      %get3A_370 = vector.load %arg14[%get3A_368, %get3A_369] : memref<1024x32xf32, #tpu.memory_space<vmem>>, vector<1024x32xf32>
      %dot_general3A_371 = arith.constant dense<0.000000e+00> : vector<128x32xf32>
      %dot_general3A_372 = tpu.matmul %convert_element_type3A_367, %get3A_370, %dot_general3A_371 {dimension_numbers = #tpu.dot_dimension_numbers<[1], [0], [0], [1], [0, 0, 1, 1], [], []>, transpose_lhs_hint = false} : vector<128x1024xf32>, vector<1024x32xf32>, vector<128x32xf32> -> vector<128x32xf32>
      %sub3A_373 = arith.subf %dot_general3A_372, %get3A_100 : vector<128x32xf32>
      %max3A_374 = arith.constant 0.000000e+00 : f32
      %max3A_375 = vector.broadcast %max3A_374 : f32 to vector<128x32xf32>
      %max3A_376 = arith.maximumf %sub3A_373, %max3A_375 : vector<128x32xf32>
      %get3A_377 = arith.constant 0 : index
      %get3A_378 = arith.constant 0 : index
      %get3A_379 = vector.load %arg6[%get3A_377, %get3A_378] : memref<32x32xf32, #tpu.memory_space<vmem>>, vector<32x32xf32>
      %dot_general3A_380 = arith.constant dense<0.000000e+00> : vector<128x32xf32>
      %dot_general3A_381 = tpu.matmul %max3A_376, %get3A_379, %dot_general3A_380 {dimension_numbers = #tpu.dot_dimension_numbers<[1], [0], [0], [1], [0, 0, 1, 1], [], []>, transpose_lhs_hint = false} : vector<128x32xf32>, vector<32x32xf32>, vector<128x32xf32> -> vector<128x32xf32>
      %max3A_382 = arith.maximumf %max3A_354, %dot_general3A_381 : vector<128x32xf32>
      %reduce_min3A_383 = arith.constant dense<2147483647> : vector<128xi32>
      %reduce_min3A_384 = vector.multi_reduction <minsi>, %select_n3A_362, %reduce_min3A_383 [1] : vector<128x1024xi32> to vector<128xi32>
      %broadcast_in_dim3A_385 = vector.shape_cast %reduce_min3A_384 : vector<128xi32> to vector<128x1xi32>
      %eq3A_386 = vector.broadcast %broadcast_in_dim3A_385 : vector<128x1xi32> to vector<128x1024xi32>
      %eq3A_387 = arith.cmpi eq, %select_n3A_362, %eq3A_386 : vector<128x1024xi32>
      %jit3A_388 = arith.constant 2147483647 : i32
      %broadcast_in_dim3A_389 = vector.broadcast %jit3A_388 : i32 to vector<128x1024xi32>
      %select_n3A_390 = arith.select %eq3A_387, %broadcast_in_dim3A_389, %select_n3A_362 : vector<128x1024xi1>, vector<128x1024xi32>
      %and3A_391 = arith.constant 1023 : i32
      %and3A_392 = vector.broadcast %and3A_391 : i32 to vector<128x1xi32>
      %and3A_393 = arith.andi %broadcast_in_dim3A_385, %and3A_392 : vector<128x1xi32>
      %convert_element_type3A_394 = arith.extui %eq3A_387 : vector<128x1024xi1> to vector<128x1024xi32>
      %convert_element_type3A_395 = arith.sitofp %convert_element_type3A_394 : vector<128x1024xi32> to vector<128x1024xf32>
      %get3A_396 = arith.constant 0 : index
      %get3A_397 = arith.constant 0 : index
      %get3A_398 = vector.load %arg14[%get3A_396, %get3A_397] : memref<1024x32xf32, #tpu.memory_space<vmem>>, vector<1024x32xf32>
      %dot_general3A_399 = arith.constant dense<0.000000e+00> : vector<128x32xf32>
      %dot_general3A_400 = tpu.matmul %convert_element_type3A_395, %get3A_398, %dot_general3A_399 {dimension_numbers = #tpu.dot_dimension_numbers<[1], [0], [0], [1], [0, 0, 1, 1], [], []>, transpose_lhs_hint = false} : vector<128x1024xf32>, vector<1024x32xf32>, vector<128x32xf32> -> vector<128x32xf32>
      %sub3A_401 = arith.subf %dot_general3A_400, %get3A_100 : vector<128x32xf32>
      %max3A_402 = arith.constant 0.000000e+00 : f32
      %max3A_403 = vector.broadcast %max3A_402 : f32 to vector<128x32xf32>
      %max3A_404 = arith.maximumf %sub3A_401, %max3A_403 : vector<128x32xf32>
      %get3A_405 = arith.constant 0 : index
      %get3A_406 = arith.constant 0 : index
      %get3A_407 = vector.load %arg6[%get3A_405, %get3A_406] : memref<32x32xf32, #tpu.memory_space<vmem>>, vector<32x32xf32>
      %dot_general3A_408 = arith.constant dense<0.000000e+00> : vector<128x32xf32>
      %dot_general3A_409 = tpu.matmul %max3A_404, %get3A_407, %dot_general3A_408 {dimension_numbers = #tpu.dot_dimension_numbers<[1], [0], [0], [1], [0, 0, 1, 1], [], []>, transpose_lhs_hint = false} : vector<128x32xf32>, vector<32x32xf32>, vector<128x32xf32> -> vector<128x32xf32>
      %max3A_410 = arith.maximumf %max3A_382, %dot_general3A_409 : vector<128x32xf32>
      %reduce_min3A_411 = arith.constant dense<2147483647> : vector<128xi32>
      %reduce_min3A_412 = vector.multi_reduction <minsi>, %select_n3A_390, %reduce_min3A_411 [1] : vector<128x1024xi32> to vector<128xi32>
      %broadcast_in_dim3A_413 = vector.shape_cast %reduce_min3A_412 : vector<128xi32> to vector<128x1xi32>
      %eq3A_414 = vector.broadcast %broadcast_in_dim3A_413 : vector<128x1xi32> to vector<128x1024xi32>
      %eq3A_415 = arith.cmpi eq, %select_n3A_390, %eq3A_414 : vector<128x1024xi32>
      %jit3A_416 = arith.constant 2147483647 : i32
      %broadcast_in_dim3A_417 = vector.broadcast %jit3A_416 : i32 to vector<128x1024xi32>
      %select_n3A_418 = arith.select %eq3A_415, %broadcast_in_dim3A_417, %select_n3A_390 : vector<128x1024xi1>, vector<128x1024xi32>
      %and3A_419 = arith.constant 1023 : i32
      %and3A_420 = vector.broadcast %and3A_419 : i32 to vector<128x1xi32>
      %and3A_421 = arith.andi %broadcast_in_dim3A_413, %and3A_420 : vector<128x1xi32>
      %convert_element_type3A_422 = arith.extui %eq3A_415 : vector<128x1024xi1> to vector<128x1024xi32>
      %convert_element_type3A_423 = arith.sitofp %convert_element_type3A_422 : vector<128x1024xi32> to vector<128x1024xf32>
      %get3A_424 = arith.constant 0 : index
      %get3A_425 = arith.constant 0 : index
      %get3A_426 = vector.load %arg14[%get3A_424, %get3A_425] : memref<1024x32xf32, #tpu.memory_space<vmem>>, vector<1024x32xf32>
      %dot_general3A_427 = arith.constant dense<0.000000e+00> : vector<128x32xf32>
      %dot_general3A_428 = tpu.matmul %convert_element_type3A_423, %get3A_426, %dot_general3A_427 {dimension_numbers = #tpu.dot_dimension_numbers<[1], [0], [0], [1], [0, 0, 1, 1], [], []>, transpose_lhs_hint = false} : vector<128x1024xf32>, vector<1024x32xf32>, vector<128x32xf32> -> vector<128x32xf32>
      %sub3A_429 = arith.subf %dot_general3A_428, %get3A_100 : vector<128x32xf32>
      %max3A_430 = arith.constant 0.000000e+00 : f32
      %max3A_431 = vector.broadcast %max3A_430 : f32 to vector<128x32xf32>
      %max3A_432 = arith.maximumf %sub3A_429, %max3A_431 : vector<128x32xf32>
      %get3A_433 = arith.constant 0 : index
      %get3A_434 = arith.constant 0 : index
      %get3A_435 = vector.load %arg6[%get3A_433, %get3A_434] : memref<32x32xf32, #tpu.memory_space<vmem>>, vector<32x32xf32>
      %dot_general3A_436 = arith.constant dense<0.000000e+00> : vector<128x32xf32>
      %dot_general3A_437 = tpu.matmul %max3A_432, %get3A_435, %dot_general3A_436 {dimension_numbers = #tpu.dot_dimension_numbers<[1], [0], [0], [1], [0, 0, 1, 1], [], []>, transpose_lhs_hint = false} : vector<128x32xf32>, vector<32x32xf32>, vector<128x32xf32> -> vector<128x32xf32>
      %max3A_438 = arith.maximumf %max3A_410, %dot_general3A_437 : vector<128x32xf32>
      %reduce_min3A_439 = arith.constant dense<2147483647> : vector<128xi32>
      %reduce_min3A_440 = vector.multi_reduction <minsi>, %select_n3A_418, %reduce_min3A_439 [1] : vector<128x1024xi32> to vector<128xi32>
      %broadcast_in_dim3A_441 = vector.shape_cast %reduce_min3A_440 : vector<128xi32> to vector<128x1xi32>
      %eq3A_442 = vector.broadcast %broadcast_in_dim3A_441 : vector<128x1xi32> to vector<128x1024xi32>
      %eq3A_443 = arith.cmpi eq, %select_n3A_418, %eq3A_442 : vector<128x1024xi32>
      %jit3A_444 = arith.constant 2147483647 : i32
      %broadcast_in_dim3A_445 = vector.broadcast %jit3A_444 : i32 to vector<128x1024xi32>
      %select_n3A_446 = arith.select %eq3A_443, %broadcast_in_dim3A_445, %select_n3A_418 : vector<128x1024xi1>, vector<128x1024xi32>
      %and3A_447 = arith.constant 1023 : i32
      %and3A_448 = vector.broadcast %and3A_447 : i32 to vector<128x1xi32>
      %and3A_449 = arith.andi %broadcast_in_dim3A_441, %and3A_448 : vector<128x1xi32>
      %convert_element_type3A_450 = arith.extui %eq3A_443 : vector<128x1024xi1> to vector<128x1024xi32>
      %convert_element_type3A_451 = arith.sitofp %convert_element_type3A_450 : vector<128x1024xi32> to vector<128x1024xf32>
      %get3A_452 = arith.constant 0 : index
      %get3A_453 = arith.constant 0 : index
      %get3A_454 = vector.load %arg14[%get3A_452, %get3A_453] : memref<1024x32xf32, #tpu.memory_space<vmem>>, vector<1024x32xf32>
      %dot_general3A_455 = arith.constant dense<0.000000e+00> : vector<128x32xf32>
      %dot_general3A_456 = tpu.matmul %convert_element_type3A_451, %get3A_454, %dot_general3A_455 {dimension_numbers = #tpu.dot_dimension_numbers<[1], [0], [0], [1], [0, 0, 1, 1], [], []>, transpose_lhs_hint = false} : vector<128x1024xf32>, vector<1024x32xf32>, vector<128x32xf32> -> vector<128x32xf32>
      %sub3A_457 = arith.subf %dot_general3A_456, %get3A_100 : vector<128x32xf32>
      %max3A_458 = arith.constant 0.000000e+00 : f32
      %max3A_459 = vector.broadcast %max3A_458 : f32 to vector<128x32xf32>
      %max3A_460 = arith.maximumf %sub3A_457, %max3A_459 : vector<128x32xf32>
      %get3A_461 = arith.constant 0 : index
      %get3A_462 = arith.constant 0 : index
      %get3A_463 = vector.load %arg6[%get3A_461, %get3A_462] : memref<32x32xf32, #tpu.memory_space<vmem>>, vector<32x32xf32>
      %dot_general3A_464 = arith.constant dense<0.000000e+00> : vector<128x32xf32>
      %dot_general3A_465 = tpu.matmul %max3A_460, %get3A_463, %dot_general3A_464 {dimension_numbers = #tpu.dot_dimension_numbers<[1], [0], [0], [1], [0, 0, 1, 1], [], []>, transpose_lhs_hint = false} : vector<128x32xf32>, vector<32x32xf32>, vector<128x32xf32> -> vector<128x32xf32>
      %max3A_466 = arith.maximumf %max3A_438, %dot_general3A_465 : vector<128x32xf32>
      %reduce_min3A_467 = arith.constant dense<2147483647> : vector<128xi32>
      %reduce_min3A_468 = vector.multi_reduction <minsi>, %select_n3A_446, %reduce_min3A_467 [1] : vector<128x1024xi32> to vector<128xi32>
      %broadcast_in_dim3A_469 = vector.shape_cast %reduce_min3A_468 : vector<128xi32> to vector<128x1xi32>
      %eq3A_470 = vector.broadcast %broadcast_in_dim3A_469 : vector<128x1xi32> to vector<128x1024xi32>
      %eq3A_471 = arith.cmpi eq, %select_n3A_446, %eq3A_470 : vector<128x1024xi32>
      %jit3A_472 = arith.constant 2147483647 : i32
      %broadcast_in_dim3A_473 = vector.broadcast %jit3A_472 : i32 to vector<128x1024xi32>
      %select_n3A_474 = arith.select %eq3A_471, %broadcast_in_dim3A_473, %select_n3A_446 : vector<128x1024xi1>, vector<128x1024xi32>
      %and3A_475 = arith.constant 1023 : i32
      %and3A_476 = vector.broadcast %and3A_475 : i32 to vector<128x1xi32>
      %and3A_477 = arith.andi %broadcast_in_dim3A_469, %and3A_476 : vector<128x1xi32>
      %convert_element_type3A_478 = arith.extui %eq3A_471 : vector<128x1024xi1> to vector<128x1024xi32>
      %convert_element_type3A_479 = arith.sitofp %convert_element_type3A_478 : vector<128x1024xi32> to vector<128x1024xf32>
      %get3A_480 = arith.constant 0 : index
      %get3A_481 = arith.constant 0 : index
      %get3A_482 = vector.load %arg14[%get3A_480, %get3A_481] : memref<1024x32xf32, #tpu.memory_space<vmem>>, vector<1024x32xf32>
      %dot_general3A_483 = arith.constant dense<0.000000e+00> : vector<128x32xf32>
      %dot_general3A_484 = tpu.matmul %convert_element_type3A_479, %get3A_482, %dot_general3A_483 {dimension_numbers = #tpu.dot_dimension_numbers<[1], [0], [0], [1], [0, 0, 1, 1], [], []>, transpose_lhs_hint = false} : vector<128x1024xf32>, vector<1024x32xf32>, vector<128x32xf32> -> vector<128x32xf32>
      %sub3A_485 = arith.subf %dot_general3A_484, %get3A_100 : vector<128x32xf32>
      %max3A_486 = arith.constant 0.000000e+00 : f32
      %max3A_487 = vector.broadcast %max3A_486 : f32 to vector<128x32xf32>
      %max3A_488 = arith.maximumf %sub3A_485, %max3A_487 : vector<128x32xf32>
      %get3A_489 = arith.constant 0 : index
      %get3A_490 = arith.constant 0 : index
      %get3A_491 = vector.load %arg6[%get3A_489, %get3A_490] : memref<32x32xf32, #tpu.memory_space<vmem>>, vector<32x32xf32>
      %dot_general3A_492 = arith.constant dense<0.000000e+00> : vector<128x32xf32>
      %dot_general3A_493 = tpu.matmul %max3A_488, %get3A_491, %dot_general3A_492 {dimension_numbers = #tpu.dot_dimension_numbers<[1], [0], [0], [1], [0, 0, 1, 1], [], []>, transpose_lhs_hint = false} : vector<128x32xf32>, vector<32x32xf32>, vector<128x32xf32> -> vector<128x32xf32>
      %max3A_494 = arith.maximumf %max3A_466, %dot_general3A_493 : vector<128x32xf32>
      %reduce_min3A_495 = arith.constant dense<2147483647> : vector<128xi32>
      %reduce_min3A_496 = vector.multi_reduction <minsi>, %select_n3A_474, %reduce_min3A_495 [1] : vector<128x1024xi32> to vector<128xi32>
      %broadcast_in_dim3A_497 = vector.shape_cast %reduce_min3A_496 : vector<128xi32> to vector<128x1xi32>
      %eq3A_498 = vector.broadcast %broadcast_in_dim3A_497 : vector<128x1xi32> to vector<128x1024xi32>
      %eq3A_499 = arith.cmpi eq, %select_n3A_474, %eq3A_498 : vector<128x1024xi32>
      %jit3A_500 = arith.constant 2147483647 : i32
      %broadcast_in_dim3A_501 = vector.broadcast %jit3A_500 : i32 to vector<128x1024xi32>
      %select_n3A_502 = arith.select %eq3A_499, %broadcast_in_dim3A_501, %select_n3A_474 : vector<128x1024xi1>, vector<128x1024xi32>
      %and3A_503 = arith.constant 1023 : i32
      %and3A_504 = vector.broadcast %and3A_503 : i32 to vector<128x1xi32>
      %and3A_505 = arith.andi %broadcast_in_dim3A_497, %and3A_504 : vector<128x1xi32>
      %convert_element_type3A_506 = arith.extui %eq3A_499 : vector<128x1024xi1> to vector<128x1024xi32>
      %convert_element_type3A_507 = arith.sitofp %convert_element_type3A_506 : vector<128x1024xi32> to vector<128x1024xf32>
      %get3A_508 = arith.constant 0 : index
      %get3A_509 = arith.constant 0 : index
      %get3A_510 = vector.load %arg14[%get3A_508, %get3A_509] : memref<1024x32xf32, #tpu.memory_space<vmem>>, vector<1024x32xf32>
      %dot_general3A_511 = arith.constant dense<0.000000e+00> : vector<128x32xf32>
      %dot_general3A_512 = tpu.matmul %convert_element_type3A_507, %get3A_510, %dot_general3A_511 {dimension_numbers = #tpu.dot_dimension_numbers<[1], [0], [0], [1], [0, 0, 1, 1], [], []>, transpose_lhs_hint = false} : vector<128x1024xf32>, vector<1024x32xf32>, vector<128x32xf32> -> vector<128x32xf32>
      %sub3A_513 = arith.subf %dot_general3A_512, %get3A_100 : vector<128x32xf32>
      %max3A_514 = arith.constant 0.000000e+00 : f32
      %max3A_515 = vector.broadcast %max3A_514 : f32 to vector<128x32xf32>
      %max3A_516 = arith.maximumf %sub3A_513, %max3A_515 : vector<128x32xf32>
      %get3A_517 = arith.constant 0 : index
      %get3A_518 = arith.constant 0 : index
      %get3A_519 = vector.load %arg6[%get3A_517, %get3A_518] : memref<32x32xf32, #tpu.memory_space<vmem>>, vector<32x32xf32>
      %dot_general3A_520 = arith.constant dense<0.000000e+00> : vector<128x32xf32>
      %dot_general3A_521 = tpu.matmul %max3A_516, %get3A_519, %dot_general3A_520 {dimension_numbers = #tpu.dot_dimension_numbers<[1], [0], [0], [1], [0, 0, 1, 1], [], []>, transpose_lhs_hint = false} : vector<128x32xf32>, vector<32x32xf32>, vector<128x32xf32> -> vector<128x32xf32>
      %max3A_522 = arith.maximumf %max3A_494, %dot_general3A_521 : vector<128x32xf32>
      %reduce_min3A_523 = arith.constant dense<2147483647> : vector<128xi32>
      %reduce_min3A_524 = vector.multi_reduction <minsi>, %select_n3A_502, %reduce_min3A_523 [1] : vector<128x1024xi32> to vector<128xi32>
      %broadcast_in_dim3A_525 = vector.shape_cast %reduce_min3A_524 : vector<128xi32> to vector<128x1xi32>
      %eq3A_526 = vector.broadcast %broadcast_in_dim3A_525 : vector<128x1xi32> to vector<128x1024xi32>
      %eq3A_527 = arith.cmpi eq, %select_n3A_502, %eq3A_526 : vector<128x1024xi32>
      %and3A_528 = arith.constant 1023 : i32
      %and3A_529 = vector.broadcast %and3A_528 : i32 to vector<128x1xi32>
      %and3A_530 = arith.andi %broadcast_in_dim3A_525, %and3A_529 : vector<128x1xi32>
      %convert_element_type3A_531 = arith.extui %eq3A_527 : vector<128x1024xi1> to vector<128x1024xi32>
      %convert_element_type3A_532 = arith.sitofp %convert_element_type3A_531 : vector<128x1024xi32> to vector<128x1024xf32>
      %get3A_533 = arith.constant 0 : index
      %get3A_534 = arith.constant 0 : index
      %get3A_535 = vector.load %arg14[%get3A_533, %get3A_534] : memref<1024x32xf32, #tpu.memory_space<vmem>>, vector<1024x32xf32>
      %dot_general3A_536 = arith.constant dense<0.000000e+00> : vector<128x32xf32>
      %dot_general3A_537 = tpu.matmul %convert_element_type3A_532, %get3A_535, %dot_general3A_536 {dimension_numbers = #tpu.dot_dimension_numbers<[1], [0], [0], [1], [0, 0, 1, 1], [], []>, transpose_lhs_hint = false} : vector<128x1024xf32>, vector<1024x32xf32>, vector<128x32xf32> -> vector<128x32xf32>
      %sub3A_538 = arith.subf %dot_general3A_537, %get3A_100 : vector<128x32xf32>
      %max3A_539 = arith.constant 0.000000e+00 : f32
      %max3A_540 = vector.broadcast %max3A_539 : f32 to vector<128x32xf32>
      %max3A_541 = arith.maximumf %sub3A_538, %max3A_540 : vector<128x32xf32>
      %get3A_542 = arith.constant 0 : index
      %get3A_543 = arith.constant 0 : index
      %get3A_544 = vector.load %arg6[%get3A_542, %get3A_543] : memref<32x32xf32, #tpu.memory_space<vmem>>, vector<32x32xf32>
      %dot_general3A_545 = arith.constant dense<0.000000e+00> : vector<128x32xf32>
      %dot_general3A_546 = tpu.matmul %max3A_541, %get3A_544, %dot_general3A_545 {dimension_numbers = #tpu.dot_dimension_numbers<[1], [0], [0], [1], [0, 0, 1, 1], [], []>, transpose_lhs_hint = false} : vector<128x32xf32>, vector<32x32xf32>, vector<128x32xf32> -> vector<128x32xf32>
      %max3A_547 = arith.maximumf %max3A_522, %dot_general3A_546 : vector<128x32xf32>
      %concatenate3A = tpu.concatenate %and3A_116, %and3A_141, %and3A_169, %and3A_197, %and3A_225, %and3A_253, %and3A_281, %and3A_309, %and3A_337, %and3A_365, %and3A_393, %and3A_421, %and3A_449, %and3A_477, %and3A_505, %and3A_530 in 1 : vector<128x1xi32>, vector<128x1xi32>, vector<128x1xi32>, vector<128x1xi32>, vector<128x1xi32>, vector<128x1xi32>, vector<128x1xi32>, vector<128x1xi32>, vector<128x1xi32>, vector<128x1xi32>, vector<128x1xi32>, vector<128x1xi32>, vector<128x1xi32>, vector<128x1xi32>, vector<128x1xi32>, vector<128x1xi32> -> vector<128x16xi32>
      %mul3A_548 = arith.constant 1024 : i32
      %mul3A_549 = arith.muli %arg0, %mul3A_548 : i32
      %add3A_550 = vector.broadcast %mul3A_549 : i32 to vector<128x16xi32>
      %add3A_551 = arith.addi %concatenate3A, %add3A_550 : vector<128x16xi32>
      %swap3A_552 = arith.constant 0 : index
      %swap3A_553 = arith.index_cast %mul3A_80 : i32 to index
      %swap3A_554 = arith.constant 0 : index
      %swap3A_555 = vector.load %arg11[%swap3A_552, %swap3A_553, %swap3A_554] : memref<1x1024x16xi32, #tpu.memory_space<vmem>>, vector<1x128x16xi32>
      %swap3A_556 = vector.shape_cast %swap3A_555 : vector<1x128x16xi32> to vector<128x16xi32>
      %swap3A_557 = vector.shape_cast %add3A_551 : vector<128x16xi32> to vector<1x128x16xi32>
      tpu.vector_store %arg11[%swap3A_552, %swap3A_553, %swap3A_554], %swap3A_557 {strides = array<i32>} : memref<1x1024x16xi32, #tpu.memory_space<vmem>>, vector<1x128x16xi32>,
      %get3A_558 = arith.constant 0 : index
      %get3A_559 = arith.constant 0 : index
      %get3A_560 = vector.load %arg7[%get3A_558, %get3A_559] : memref<8x32xf32, #tpu.memory_space<vmem>>, vector<1x32xf32>
      %add3A_561 = vector.broadcast %get3A_560 : vector<1x32xf32> to vector<128x32xf32>
      %add3A_562 = arith.addf %max3A_547, %add3A_561 : vector<128x32xf32>
      %max3A_563 = arith.constant 0.000000e+00 : f32
      %max3A_564 = vector.broadcast %max3A_563 : f32 to vector<128x32xf32>
      %max3A_565 = arith.maximumf %add3A_562, %max3A_564 : vector<128x32xf32>
      %swap3A_566 = arith.index_cast %mul3A_80 : i32 to index
      %swap3A_567 = arith.constant 0 : index
      %swap3A_568 = vector.load %arg16[%swap3A_566, %swap3A_567] : memref<1024x32xf32, #tpu.memory_space<vmem>>, vector<128x32xf32>
      tpu.vector_store %arg16[%swap3A_566, %swap3A_567], %max3A_565 {strides = array<i32>} : memref<1024x32xf32, #tpu.memory_space<vmem>>, vector<128x32xf32>,
    }
    %scan3A_38 = arith.constant 8 : i32
    %get3A_39 = arith.constant 0 : index
    %get3A_40 = arith.constant 0 : index
    %get3A_41 = vector.load %arg9[%get3A_39, %get3A_40] : memref<8x32xf32, #tpu.memory_space<vmem>>, vector<8x32xf32>
    %dot_general3A_42 = arith.constant dense<0.000000e+00> : vector<1024x32xf32>
    %dot_general3A_43 = tpu.matmul %get3A_3, %get3A_41, %dot_general3A_42 {dimension_numbers = #tpu.dot_dimension_numbers<[1], [0], [0], [1], [0, 0, 1, 1], [], []>, transpose_lhs_hint = false} : vector<1024x8xf32>, vector<8x32xf32>, vector<1024x32xf32> -> vector<1024x32xf32>
    %get3A_44 = arith.constant 0 : index
    %get3A_45 = arith.constant 0 : index
    %get3A_46 = vector.load %arg16[%get3A_44, %get3A_45] : memref<1024x32xf32, #tpu.memory_space<vmem>>, vector<1024x32xf32>
    %get3A_47 = arith.constant 0 : index
    %get3A_48 = arith.constant 0 : index
    %get3A_49 = vector.load %arg8[%get3A_47, %get3A_48] : memref<32x32xf32, #tpu.memory_space<vmem>>, vector<32x32xf32>
    %dot_general3A_50 = arith.constant dense<0.000000e+00> : vector<1024x32xf32>
    %dot_general3A_51 = tpu.matmul %get3A_46, %get3A_49, %dot_general3A_50 {dimension_numbers = #tpu.dot_dimension_numbers<[1], [0], [0], [1], [0, 0, 1, 1], [], []>, transpose_lhs_hint = false} : vector<1024x32xf32>, vector<32x32xf32>, vector<1024x32xf32> -> vector<1024x32xf32>
    %add3A_52 = arith.addf %dot_general3A_51, %dot_general3A_43 : vector<1024x32xf32>
    %get3A_53 = arith.constant 0 : index
    %get3A_54 = arith.constant 0 : index
    %get3A_55 = vector.load %arg10[%get3A_53, %get3A_54] : memref<8x32xf32, #tpu.memory_space<vmem>>, vector<1x32xf32>
    %add3A_56 = vector.broadcast %get3A_55 : vector<1x32xf32> to vector<1024x32xf32>
    %add3A_57 = arith.addf %add3A_52, %add3A_56 : vector<1024x32xf32>
    %swap3A_58 = arith.constant 0 : index
    %swap3A_59 = arith.constant 0 : index
    %swap3A_60 = arith.constant 0 : index
    %swap3A_61 = vector.load %arg12[%swap3A_58, %swap3A_59, %swap3A_60] : memref<1x1024x128xf32, #tpu.memory_space<vmem>>, vector<1x1024x32xf32>
    %swap3A_62 = vector.shape_cast %swap3A_61 : vector<1x1024x32xf32> to vector<1024x32xf32>
    %swap3A_63 = vector.shape_cast %add3A_57 : vector<1024x32xf32> to vector<1x1024x32xf32>
    tpu.vector_store %arg12[%swap3A_58, %swap3A_59, %swap3A_60], %swap3A_63 {strides = array<i32>} : memref<1x1024x128xf32, #tpu.memory_space<vmem>>, vector<1x1024x32xf32>,
    %broadcast_in_dim3A_64 = arith.constant 0.000000e+00 : f32
    %broadcast_in_dim3A_65 = vector.broadcast %broadcast_in_dim3A_64 : f32 to vector<1024x96xf32>
    %swap3A_66 = arith.constant 0 : index
    %swap3A_67 = arith.constant 0 : index
    %swap3A_68 = arith.constant 32 : index
    %swap3A_69 = vector.load %arg12[%swap3A_66, %swap3A_67, %swap3A_68] : memref<1x1024x128xf32, #tpu.memory_space<vmem>>, vector<1x1024x96xf32>
    %swap3A_70 = vector.shape_cast %swap3A_69 : vector<1x1024x96xf32> to vector<1024x96xf32>
    %swap3A_71 = vector.shape_cast %broadcast_in_dim3A_65 : vector<1024x96xf32> to vector<1x1024x96xf32>
    tpu.vector_store %arg12[%swap3A_66, %swap3A_67, %swap3A_68], %swap3A_71 {strides = array<i32>} : memref<1x1024x128xf32, #tpu.memory_space<vmem>>, vector<1x1024x96xf32>,
    %swap3A_72 = arith.constant 0 : index
    %swap3A_73 = arith.constant 0 : index
    %swap3A_74 = arith.constant 0 : index
    %swap3A_75 = vector.load %arg13[%swap3A_72, %swap3A_73, %swap3A_74] : memref<1x1024x32xf32, #tpu.memory_space<vmem>>, vector<1x1024x32xf32>
    %swap3A_76 = vector.shape_cast %swap3A_75 : vector<1x1024x32xf32> to vector<1024x32xf32>
    %swap3A_77 = vector.shape_cast %dot_general3A_43 : vector<1024x32xf32> to vector<1x1024x32xf32>
    tpu.vector_store %arg13[%swap3A_72, %swap3A_73, %swap3A_74], %swap3A_77 {strides = array<i32>} : memref<1x1024x32xf32, #tpu.memory_space<vmem>>, vector<1x1024x32xf32>,
    return
  }
  func.func @transform_0(%arg0: i32) -> (i32, i32, i32) {
    %c0_i32 = arith.constant 0 : i32
    %c0_i32_0 = arith.constant 0 : i32
    %c0_i32_1 = arith.constant 0 : i32
    return %arg0, %c0_i32, %c0_i32_0 : i32, i32, i32
  }
  func.func @transform_1(%arg0: i32) -> (i32, i32, i32) {
    %c0_i32 = arith.constant 0 : i32
    %c0_i32_0 = arith.constant 0 : i32
    %c0_i32_1 = arith.constant 0 : i32
    return %arg0, %c0_i32, %c0_i32_0 : i32, i32, i32
  }
  func.func @transform_2(%arg0: i32) -> (i32, i32) {
    %c0_i32 = arith.constant 0 : i32
    %c0_i32_0 = arith.constant 0 : i32
    %c0_i32_1 = arith.constant 0 : i32
    return %c0_i32, %c0_i32_0 : i32, i32
  }
  func.func @transform_3(%arg0: i32) -> (i32, i32) {
    %c0_i32 = arith.constant 0 : i32
    %c0_i32_0 = arith.constant 0 : i32
    %c0_i32_1 = arith.constant 0 : i32
    return %c0_i32, %c0_i32_0 : i32, i32
  }
  func.func @transform_4(%arg0: i32) -> (i32, i32) {
    %c0_i32 = arith.constant 0 : i32
    %c0_i32_0 = arith.constant 0 : i32
    %c0_i32_1 = arith.constant 0 : i32
    return %c0_i32, %c0_i32_0 : i32, i32
  }
  func.func @transform_5(%arg0: i32) -> (i32, i32) {
    %c0_i32 = arith.constant 0 : i32
    %c0_i32_0 = arith.constant 0 : i32
    %c0_i32_1 = arith.constant 0 : i32
    return %c0_i32, %c0_i32_0 : i32, i32
  }
  func.func @transform_6(%arg0: i32) -> (i32, i32) {
    %c0_i32 = arith.constant 0 : i32
    %c0_i32_0 = arith.constant 0 : i32
    %c0_i32_1 = arith.constant 0 : i32
    return %c0_i32, %c0_i32_0 : i32, i32
  }
  func.func @transform_7(%arg0: i32) -> (i32, i32) {
    %c0_i32 = arith.constant 0 : i32
    %c0_i32_0 = arith.constant 0 : i32
    %c0_i32_1 = arith.constant 0 : i32
    return %c0_i32, %c0_i32_0 : i32, i32
  }
  func.func @transform_8(%arg0: i32) -> (i32, i32) {
    %c0_i32 = arith.constant 0 : i32
    %c0_i32_0 = arith.constant 0 : i32
    %c0_i32_1 = arith.constant 0 : i32
    return %c0_i32, %c0_i32_0 : i32, i32
  }
  func.func @transform_9(%arg0: i32) -> (i32, i32) {
    %c0_i32 = arith.constant 0 : i32
    %c0_i32_0 = arith.constant 0 : i32
    %c0_i32_1 = arith.constant 0 : i32
    return %c0_i32, %c0_i32_0 : i32, i32
  }
  func.func @transform_10(%arg0: i32) -> (i32, i32, i32) {
    %c0_i32 = arith.constant 0 : i32
    %c0_i32_0 = arith.constant 0 : i32
    %c0_i32_1 = arith.constant 0 : i32
    return %arg0, %c0_i32, %c0_i32_0 : i32, i32, i32
  }
  func.func @transform_11(%arg0: i32) -> (i32, i32, i32) {
    %c0_i32 = arith.constant 0 : i32
    %c0_i32_0 = arith.constant 0 : i32
    %c0_i32_1 = arith.constant 0 : i32
    return %arg0, %c0_i32, %c0_i32_0 : i32, i32, i32
  }
  func.func @transform_12(%arg0: i32) -> (i32, i32, i32) {
    %c0_i32 = arith.constant 0 : i32
    %c0_i32_0 = arith.constant 0 : i32
    %c0_i32_1 = arith.constant 0 : i32
    return %arg0, %c0_i32, %c0_i32_0 : i32, i32, i32
  }
}

module attributes {stable_mosaic.version = 14 : i64} {
  func.func @_tc2_body(%arg0: i32, %arg1: memref<1x16384x128xf32, #tpu.memory_space<vmem>>, %arg2: memref<1x1024x32xf32, #tpu.memory_space<vmem>>, %arg3: memref<32x32xf32, #tpu.memory_space<vmem>>, %arg4: memref<8x32xf32, #tpu.memory_space<vmem>>, %arg5: memref<32x40xf32, #tpu.memory_space<vmem>>, %arg6: memref<8x40xf32, #tpu.memory_space<vmem>>, %arg7: memref<1x1x40xf32, #tpu.memory_space<vmem>>) attributes {dimension_semantics = [#tpu.dimension_semantics<arbitrary>], iteration_bounds = array<i64: 10>, scalar_prefetch = 0 : i64, scratch_operands = 0 : i64, tpu.core_type = #tpu.core_type<tc>, window_params = [{transform_indices = @transform_0, window_bounds = array<i64: 1, 16384, 128>}, {transform_indices = @transform_1, window_bounds = array<i64: 1, 1024, 32>}, {pipeline_mode = #tpu.pipeline_mode<synchronous>, transform_indices = @transform_2, window_bounds = array<i64: 32, 32>}, {pipeline_mode = #tpu.pipeline_mode<synchronous>, transform_indices = @transform_3, window_bounds = array<i64: 8, 32>}, {pipeline_mode = #tpu.pipeline_mode<synchronous>, transform_indices = @transform_4, window_bounds = array<i64: 32, 40>}, {pipeline_mode = #tpu.pipeline_mode<synchronous>, transform_indices = @transform_5, window_bounds = array<i64: 8, 40>}, {transform_indices = @transform_6, window_bounds = array<i64: 1, 1, 40>}]} {
    %get3A = arith.constant 0 : index
    %get3A_0 = arith.constant 0 : index
    %get3A_1 = arith.constant 0 : index
    %get3A_2 = vector.load %arg1[%get3A, %get3A_0, %get3A_1] : memref<1x16384x128xf32, #tpu.memory_space<vmem>>, vector<1x16384x32xf32>
    %get3A_3 = vector.shape_cast %get3A_2 : vector<1x16384x32xf32> to vector<16384x32xf32>
    %reshape3A = vector.shape_cast %get3A_3 : vector<16384x32xf32> to vector<1024x16x32xf32>
    %get3A_4 = arith.constant 0 : index
    %get3A_5 = arith.constant 0 : index
    %get3A_6 = arith.constant 0 : index
    %get3A_7 = vector.load %arg2[%get3A_4, %get3A_5, %get3A_6] : memref<1x1024x32xf32, #tpu.memory_space<vmem>>, vector<1x1024x32xf32>
    %get3A_8 = vector.shape_cast %get3A_7 : vector<1x1024x32xf32> to vector<1024x32xf32>
    %broadcast_in_dim3A = vector.shape_cast %get3A_8 : vector<1024x32xf32> to vector<1024x1x32xf32>
    %sub3A = vector.broadcast %broadcast_in_dim3A : vector<1024x1x32xf32> to vector<1024x16x32xf32>
    %sub3A_9 = arith.subf %reshape3A, %sub3A : vector<1024x16x32xf32>
    %max3A = arith.constant 0.000000e+00 : f32
    %max3A_10 = vector.broadcast %max3A : f32 to vector<1024x16x32xf32>
    %max3A_11 = arith.maximumf %sub3A_9, %max3A_10 : vector<1024x16x32xf32>
    %reshape3A_12 = vector.shape_cast %max3A_11 : vector<1024x16x32xf32> to vector<16384x32xf32>
    %get3A_13 = arith.constant 0 : index
    %get3A_14 = arith.constant 0 : index
    %get3A_15 = vector.load %arg3[%get3A_13, %get3A_14] : memref<32x32xf32, #tpu.memory_space<vmem>>, vector<32x32xf32>
    %dot_general3A = arith.constant dense<0.000000e+00> : vector<16384x32xf32>
    %dot_general3A_16 = tpu.matmul %reshape3A_12, %get3A_15, %dot_general3A {dimension_numbers = #tpu.dot_dimension_numbers<[1], [0], [0], [1], [0, 0, 1, 1], [], []>, transpose_lhs_hint = false} : vector<16384x32xf32>, vector<32x32xf32>, vector<16384x32xf32> -> vector<16384x32xf32>
    %get3A_17 = arith.constant 0 : index
    %get3A_18 = arith.constant 0 : index
    %get3A_19 = vector.load %arg4[%get3A_17, %get3A_18] : memref<8x32xf32, #tpu.memory_space<vmem>>, vector<1x32xf32>
    %add3A = vector.broadcast %get3A_19 : vector<1x32xf32> to vector<16384x32xf32>
    %add3A_20 = arith.addf %dot_general3A_16, %add3A : vector<16384x32xf32>
    %reshape3A_21 = vector.shape_cast %add3A_20 : vector<16384x32xf32> to vector<1024x16x32xf32>
    %reduce_max3A = arith.constant dense<0xFF800000> : vector<1024x32xf32>
    %reduce_max3A_22 = vector.multi_reduction <maximumf>, %reshape3A_21, %reduce_max3A [1] : vector<1024x16x32xf32> to vector<1024x32xf32>
    %max3A_23 = arith.constant 0.000000e+00 : f32
    %max3A_24 = vector.broadcast %max3A_23 : f32 to vector<1024x32xf32>
    %max3A_25 = arith.maximumf %reduce_max3A_22, %max3A_24 : vector<1024x32xf32>
    %iota3A = tpu.iota {dimensions = array<i32: 0>} : vector<1024x32xi32>
    %ge3A = arith.constant 1000 : i32
    %ge3A_26 = vector.broadcast %ge3A : i32 to vector<1024x32xi32>
    %ge3A_27 = arith.cmpi sge, %iota3A, %ge3A_26 : vector<1024x32xi32>
    %jit3A = arith.constant 0.000000e+00 : f32
    %broadcast_in_dim3A_28 = vector.broadcast %jit3A : f32 to vector<1024x32xf32>
    %select_n3A = arith.select %ge3A_27, %broadcast_in_dim3A_28, %max3A_25 : vector<1024x32xi1>, vector<1024x32xf32>
    %reduce_max3A_29 = arith.constant dense<0xFF800000> : vector<32xf32>
    %reduce_max3A_30 = vector.multi_reduction <maximumf>, %select_n3A, %reduce_max3A_29 [0] : vector<1024x32xf32> to vector<32xf32>
    %broadcast_in_dim3A_31 = vector.shape_cast %reduce_max3A_30 : vector<32xf32> to vector<1x32xf32>
    %get3A_32 = arith.constant 0 : index
    %get3A_33 = arith.constant 0 : index
    %get3A_34 = vector.load %arg5[%get3A_32, %get3A_33] : memref<32x40xf32, #tpu.memory_space<vmem>>, vector<32x40xf32>
    %dot_general3A_35 = arith.constant dense<0.000000e+00> : vector<1x40xf32>
    %dot_general3A_36 = tpu.matmul %broadcast_in_dim3A_31, %get3A_34, %dot_general3A_35 {dimension_numbers = #tpu.dot_dimension_numbers<[1], [0], [0], [1], [0, 0, 1, 1], [], []>, transpose_lhs_hint = false} : vector<1x32xf32>, vector<32x40xf32>, vector<1x40xf32> -> vector<1x40xf32>
    %get3A_37 = arith.constant 0 : index
    %get3A_38 = arith.constant 0 : index
    %get3A_39 = vector.load %arg6[%get3A_37, %get3A_38] : memref<8x40xf32, #tpu.memory_space<vmem>>, vector<1x40xf32>
    %add3A_40 = arith.addf %dot_general3A_36, %get3A_39 : vector<1x40xf32>
    %swap3A = arith.constant 0 : index
    %swap3A_41 = arith.constant 0 : index
    %swap3A_42 = arith.constant 0 : index
    %swap3A_43 = vector.load %arg7[%swap3A, %swap3A_41, %swap3A_42] : memref<1x1x40xf32, #tpu.memory_space<vmem>>, vector<1x1x40xf32>
    %swap3A_44 = vector.shape_cast %swap3A_43 : vector<1x1x40xf32> to vector<1x40xf32>
    %swap3A_45 = vector.shape_cast %add3A_40 : vector<1x40xf32> to vector<1x1x40xf32>
    tpu.vector_store %arg7[%swap3A, %swap3A_41, %swap3A_42], %swap3A_45 {strides = array<i32>} : memref<1x1x40xf32, #tpu.memory_space<vmem>>, vector<1x1x40xf32>,
    return
  }
  func.func @transform_0(%arg0: i32) -> (i32, i32, i32) {
    %c0_i32 = arith.constant 0 : i32
    %c0_i32_0 = arith.constant 0 : i32
    %c0_i32_1 = arith.constant 0 : i32
    return %arg0, %c0_i32, %c0_i32_0 : i32, i32, i32
  }
  func.func @transform_1(%arg0: i32) -> (i32, i32, i32) {
    %c0_i32 = arith.constant 0 : i32
    %c0_i32_0 = arith.constant 0 : i32
    %c0_i32_1 = arith.constant 0 : i32
    return %arg0, %c0_i32, %c0_i32_0 : i32, i32, i32
  }
  func.func @transform_2(%arg0: i32) -> (i32, i32) {
    %c0_i32 = arith.constant 0 : i32
    %c0_i32_0 = arith.constant 0 : i32
    %c0_i32_1 = arith.constant 0 : i32
    return %c0_i32, %c0_i32_0 : i32, i32
  }
  func.func @transform_3(%arg0: i32) -> (i32, i32) {
    %c0_i32 = arith.constant 0 : i32
    %c0_i32_0 = arith.constant 0 : i32
    %c0_i32_1 = arith.constant 0 : i32
    return %c0_i32, %c0_i32_0 : i32, i32
  }
  func.func @transform_4(%arg0: i32) -> (i32, i32) {
    %c0_i32 = arith.constant 0 : i32
    %c0_i32_0 = arith.constant 0 : i32
    %c0_i32_1 = arith.constant 0 : i32
    return %c0_i32, %c0_i32_0 : i32, i32
  }
  func.func @transform_5(%arg0: i32) -> (i32, i32) {
    %c0_i32 = arith.constant 0 : i32
    %c0_i32_0 = arith.constant 0 : i32
    %c0_i32_1 = arith.constant 0 : i32
    return %c0_i32, %c0_i32_0 : i32, i32
  }
  func.func @transform_6(%arg0: i32) -> (i32, i32, i32) {
    %c0_i32 = arith.constant 0 : i32
    %c0_i32_0 = arith.constant 0 : i32
    %c0_i32_1 = arith.constant 0 : i32
    return %arg0, %c0_i32, %c0_i32_0 : i32, i32, i32
  }
}

</mosaic_0001>

<sc_bundles>
// kernel: kernel.5.cloned.1.call-start
scs
__scs_entry_jumppad:
0x0: {  	(pc) =	sbr.rel $0x88, $3  }
0x1: {  	(tag) =	ssettag $0x0;
	lr =	simm.s32 $0x1  }
0x2: {  	[smem:$0x3F96] =	sst lr;
	_ =	strace $0xD0000000  }
0x3: {  	_ = 	snop  }
0x4: {  	_ = 	snop  }
0x5: {  	_ = 	snop  }
0x6: {  	_ = 	snop  }
0x7: {  	_ = 	snop  }
__scs_overlays_trampoline_lowered:
0x8: {  	[smem:$0x3FA5] =	sst s0  }
0x9: {  	[smem:$0x3FA6] =	sst s1  }
0xa: {  	[smem:$0x3FA7] =	sst s2  }
0xb: {  	[smem:$0x3FA8] =	sst s3  }
0xc: {  	[smem:$0x3FA9] =	sst s4  }
0xd: {  	[smem:$0x3FAA] =	sst s5  }
0xe: {  	[smem:$0x3FAB] =	sst s6  }
0xf: {  	[smem:$0x3FAC] =	sst s7  }
0x10: {  	[smem:$0x3FAD] =	sst s8  }
0x11: {  	[smem:$0x3FAE] =	sst s9;
	s0 =	simm.s32 @!p0 $0x0  }
0x12: {  	s1 =	sld [smem:$0x3F94];
	s0 =	simm.s32 @p0 $0x1  }
0x13: {  	[smem:$0x3FAF] =	sst s0;
	s0 =	simm.s32 @!p1 $0x0  }
0x14: {  	s2 =	sld [smem:$0x3F93];
	s0 =	simm.s32 @p1 $0x1  }
0x15: {  	[smem:$0x3FB0] =	sst s0;
	s0 =	simm.s32 @!p2 $0x0  }
0x16: {  	s3 =	sld [smem:$0x3FDB];
	s0 =	simm.s32 @p2 $0x1  }
0x17: {  	s4 =	simm.s32 $0x1BF5;
	[smem:$0x3FB2] =	sst s0  }
0x18: {  	s0 =	sld [smem:$0x3F95];
	_ =	swait.ge [sflag:s4], $0x0  }
0x19: {  	s7 =	sld [smem:$0x3F96]  }
0x1a: {  	s8 =	sadd.s32 $0xFFFFE003, lr  }
0x1b: {  	s9 =	sadd.s32 $0xFFFFFEF7, lr;
	s5 =	simm.s32 $0xFFFFFFFF;
	p2 =	slt.u32 s8, $0xFFFFF086  }
0x1c: {  	p1 =	slt.u32 s9, $0xF7A;
	s5 =	simm.s32 @!p2 $0x0  }
0x1d: {  	s5 =	simm.s32 @p1 $0x1;
	p0 =	seq.s32 s7, s2  }
0x1e: {  	s7 =	smul.u32 @!p0 $0xF7A, s2;
	p2 =	seq.s32 @!p0 s5, $0x0  }
0x1f: {  	s9 =	smul.u32 $0xF7A, s1;
	s8 =	simm.s32 @!p0 $0x1BF5;
	p2 =	por !p2, p0  }
0x20: {  	[sflag:s8] =	ssyncset.s32 @!p0 $0xFFFFF086;
	s6 =	sadd.s32 @!p0 s3, s7;
	s7 =	simm.s32 @!p0 $0x108  }
0x21: {  	s3 =	sadd.s32 s3, s9;
	s6 =	sadd.s32 @!p0 $0x88, s6;
	s7 =	simm.s32 @p2 $0x1082  }
0x22: {  	[simem:s7], [sflag:s8] =	dma.local @!p0 [hbm:s6], $0xF7A  }
0x23: {  	s9 =	sor.u32 $0xD0000000, s2;
	s6 =	simm.s32 $0x108;
	_ =	swait.ge @!p0 [sflag:s8], $0x0  }
0x24: {  	s3 =	sadd.s32 $0x88, s3;
	s6 =	simm.s32 @!p1 $0x1082;
	[sflag:s4] =	ssyncset.s32 $0xFFFFF086  }
0x25: {  	[simem:s6], [sflag:s4] =	dma.local [hbm:s3], $0xF7A  }
0x26: {  	[smem:$0x3F96] =	sst s1;
	(tag) =	ssettag s2;
	_ =	strace s9  }
0x27: {  	s1 =	sld [smem:$0x3FA6]  }
0x28: {  	s2 =	sld [smem:$0x3FA7]  }
0x29: {  	s4 =	sld [smem:$0x3FA9]  }
0x2a: {  	p0 =	seq.s32 s5, $0x0;
	s5 =	sld [smem:$0x3FAA]  }
0x2b: {  	s6 =	sld [smem:$0x3FAB]  }
0x2c: {  	s7 =	sld [smem:$0x3FAC]  }
0x2d: {  	s3 =	simm.s32 $0x108;
	s8 =	sld [smem:$0x3FAD]  }
0x2e: {  	s3 =	simm.s32 @!p0 $0x1082;
	s9 =	sld [smem:$0x3FAE]  }
0x2f: {  	lr =	sadd.s32 s0, s3;
	s0 =	sld [smem:$0x3FA5]  }
0x30: {  	s3 =	sld [smem:$0x3FA8]  }
0x31: {  	[smem:$0x3FB1] =	sst s10  }
0x32: {  	s10 =	sld [smem:$0x3FAF];
	_ =	sdelay $0x3  }
0x33: {  	p0 =	seq.s32 s10, $0x1;
	s10 =	sld [smem:$0x3FB1];
	_ =	sdelay $0x3  }
0x34: {  	[smem:$0x3FB1] =	sst s10  }
0x35: {  	s10 =	sld [smem:$0x3FB0];
	_ =	sdelay $0x3  }
0x36: {  	p1 =	seq.s32 s10, $0x1;
	s10 =	sld [smem:$0x3FB1];
	_ =	sdelay $0x3  }
0x37: {  	[smem:$0x3FB1] =	sst s10  }
0x38: {  	s10 =	sld [smem:$0x3FB2]  }
0x39: {  	_ = 	snop;
	(pc) =	sbr.ind lr, $3  }
0x3a: {  	_ = 	snop  }
0x3b: {  	_ = 	snop  }
0x3c: {  	p2 =	seq.s32 s10, $0x1;
	s10 =	sld [smem:$0x3FB1]  }
0x3d: {  	_ =	shalt  }
0x3e: {  	_ =	shalt  }
0x3f: {  	_ =	shalt  }
0x40: {  	_ =	shalt  }
0x41: {  	_ =	shalt  }
0x42: {  	_ =	shalt  }
0x43: {  	_ =	shalt  }
0x44: {  	_ =	shalt  }
0x45: {  	_ =	shalt  }
0x46: {  	_ =	shalt  }
0x47: {  	_ =	shalt  }
0x48: {  	_ =	shalt  }
0x49: {  	_ =	shalt  }
0x4a: {  	_ =	shalt  }
0x4b: {  	_ =	shalt  }
0x4c: {  	_ =	shalt  }
0x4d: {  	_ =	shalt  }
0x4e: {  	_ =	shalt  }
0x4f: {  	_ =	shalt  }
0x50: {  	_ =	shalt  }
0x51: {  	_ =	shalt  }
0x52: {  	_ =	shalt  }
0x53: {  	_ =	shalt  }
0x54: {  	_ =	shalt  }
0x55: {  	_ =	shalt  }
0x56: {  	_ =	shalt  }
0x57: {  	_ =	shalt  }
0x58: {  	_ =	shalt  }
0x59: {  	_ =	shalt  }
0x5a: {  	_ =	shalt  }
0x5b: {  	_ =	shalt  }
0x5c: {  	_ =	shalt  }
0x5d: {  	_ =	shalt  }
0x5e: {  	_ =	shalt  }
0x5f: {  	_ =	shalt  }
0x60: {  	_ =	shalt  }
0x61: {  	_ =	shalt  }
0x62: {  	_ =	shalt  }
0x63: {  	_ =	shalt  }
0x64: {  	_ =	shalt  }
0x65: {  	_ =	shalt  }
0x66: {  	_ =	shalt  }
0x67: {  	_ =	shalt  }
0x68: {  	_ =	shalt  }
0x69: {  	_ =	shalt  }
0x6a: {  	_ =	shalt  }
0x6b: {  	_ =	shalt  }
0x6c: {  	_ =	shalt  }
0x6d: {  	_ =	shalt  }
0x6e: {  	_ =	shalt  }
0x6f: {  	_ =	shalt  }
0x70: {  	_ =	shalt  }
0x71: {  	_ =	shalt  }
0x72: {  	_ =	shalt  }
0x73: {  	_ =	shalt  }
0x74: {  	_ =	shalt  }
0x75: {  	_ =	shalt  }
0x76: {  	_ =	shalt  }
0x77: {  	_ =	shalt  }
0x78: {  	_ =	shalt  }
0x79: {  	_ =	shalt  }
0x7a: {  	_ =	shalt  }
0x7b: {  	_ =	shalt  }
0x7c: {  	_ =	shalt  }
0x7d: {  	_ =	shalt  }
0x7e: {  	_ =	shalt  }
0x7f: {  	_ =	shalt  }
0x80: {  	_ =	shalt  }
0x81: {  	_ =	shalt  }
0x82: {  	_ =	shalt  }
0x83: {  	_ =	shalt  }
0x84: {  	_ =	shalt  }
0x85: {  	_ =	shalt  }
0x86: {  	_ =	shalt  }
0x87: {  	_ =	shalt  }
.Lfunc_end0:
.L_simem_size_0:
called_computation_lowered:
.L_overlay_start_0:
0x88: {  	s2 =	sld [smem:$0x3FD9]  }
0x89: {  	s3 =	sld [smem:$0x3FFE];
	_ =	sdelay $0x1  }
0x8a: {  	s1 =	srdreg.scid  }
0x8b: {  	s0 =	sand.u32 $0x1, s1  }
0x8c: {  	s16 =	sshll.u32 s0, $0xA;
	s2 =	sadd.s32 s3, s2  }
0x8d: {  	s2 =	sadd.s32 s2, s16  }
0x8e: {  	[smem:$0x3FBD] =	sst s2  }
0x8f: {  	_ = 	snop  }
0x90: {  	(tm) =	ssettm $0x1  }
0x91: {  	s17 =	sld [smem:$0x3FFB];
	_ =	sdelay $0x3  }
0x92: {  	_ =	strace s17  }
0x93: {  	s2 =	sld [smem:$0x3FFC];
	_ =	sdelay $0x3  }
0x94: {  	_ =	strace s2  }
0x95: {  	s2 =	sld [smem:$0x3FFD];
	_ =	sdelay $0x3  }
0x96: {  	_ =	strace s2  }
0x97: {  	_ =	strace $0x8FFFFFFF  }
0x98: {  	s18 =	sld [smem:$0x3FDB];
	_ =	sdelay $0x1  }
0x99: {  	s19 =	simm.s32 $_scs_section_size  }
0x9a: {  	s4 =	simm.s32 $_size__tile_overlayer_lowered;
	s5 =	simm.s32 $_tile_overlayer_lowered  }
0x9b: {  	s22 =	simm.s32 $0x1BFF;
	s21 =	sshll.u32 s5, $0x1;
	s2 =	sadd.s32 s19, s18  }
0x9c: {  	s6 =	simm.s32 $0x0;
	s20 =	sshll.u32 s4, $0x1;
	s4 =	sadd.s32 s21, s2  }
0x9d: {  	[timem:s6], [sflag:s22] =	dma.local [hbm:s4], s20  }
0x9e: {  	_ =	swait.ge [sflag:s22], s20  }
0x9f: {  	s3 =	ssub.s32 $0x0, s20;
	[sflag:s22] =	ssyncset.done $0x0  }
0xa0: {  	[sflag:s22] =	ssyncadd.s32 s3;
	_ =	sdelay $0x1  }
0xa1: {  	s23 =	simm.s32 $0x1B8B  }
0xa2: {  	_ =	swait.ge [sflag:s23], $0x1  }
0xa3: {  	[sflag:s23] =	ssyncset.done $0x0  }
0xa4: {  	s25 =	simm.s32 $0x1B8E;
	s24 =	sld [smem:$0x3FFE];
	[sflag:s23] =	ssyncadd.s32 $0xFFFFFFFF  }
0xa5: {  	s26 =	simm.s32 $execute0_lowered;
	[smem:$0x3FD2] =	sst s25  }
0xa6: {  	s4 =	sshll.u32 s26, $0x1;
	_ =	strace $0x80000046;
	[dreg:$0x1] =	wrdreg $0xFFFFFFFF  }
0xa7: {  	s28 =	simm.s32 $_size_execute0_lowered;
	s2 =	sadd.s32 s2, s4;
	[dreg:$0x0] =	wrdreg $0x0  }
0xa8: {  	s4 =	sshll.u32 s28, $0x1;
	[dreg:$0x2] =	wrdreg s2  }
0xa9: {  	[dreg:$0x3] =	wrdreg s4  }
0xaa: {  	[dreg:$0x4] =	wrdreg $0xC0  }
0xab: {  	_ =	task [dreg:s6], $0x5FFFF  }
0xac: {  	[dreg:$0x1] =	wrdreg $0xFFFFFFFF  }
0xad: {  	[dreg:$0x0] =	wrdreg $0x60  }
0xae: {  	[dreg:$0x2] =	wrdreg s24  }
0xaf: {  	[dreg:$0x3] =	wrdreg $0x9  }
0xb0: {  	_ =	task.clear_ibuf [dreg:s6], $0x4FFFF;
	_ =	strace $0x90000046  }
0xb1: {  	s29 =	simm.s32 $0x9;
	_ =	strace $0x80000048  }
0xb2: {  	_ =	swait.ge [sflag:s29], $0x1  }
0xb3: {  	[sflag:s29] =	ssyncadd.s32 $0xFFFFFFFF  }
0xb4: {  	_ =	strace $0x90000048  }
0xb5: {  	_ =	sfence  }
0xb6: {  	s30 =	sld [smem:$0x0];
	_ =	sdelay $0x2  }
0xb7: {  	s31 =	sshll.u32 s1, $0xD;
	s1 =	sshrl.u32 s1, $0x2  }
0xb8: {  	s3 =	sand.u32 $0x4000, s31;
	s1 =	sadd.s32 s1, s30  }
0xb9: {  	s0 =	sor.u32 s3, s0;
	s1 =	sshll.u32 s1, $0x11  }
0xba: {  	s0 =	sor.u32 s1, s0  }
0xbb: {  	s0 =	sadd.s32 $0x8F2B, s0  }
0xbc: {  	[sflag:s0] =	ssyncadd.remote.s32 $0x1  }
0xbd: {  	_ =	sfence.sel $0xFFFF  }
0xbe: {  	[dreg:$0x0] =	wrdreg $0xFFFFFFFF;
	(pc) =	sbr.abs _section_cstart, $3  }
0xbf: {  	[dreg:$0x1] =	wrdreg $0xFFFFFFFF  }
0xc0: {  	_ =	task.clear_ibuf [dreg:s6], $0x2FFFF;
	_ =	strace $0x9FFFFFFF  }
0xc1: {  	(tm) =	ssettm $0x7FFFFFFF  }
tec
execute0_lowered:
.L_overlay_start_1:
0x0: {  	(tag) =	ssettag $0x1  }
0x1: {  	s0 =	rddreg [dreg:$0x0];
	s3 =	stileid.u32  }
0x2: {  	s1 =	srdreg.scid;
	s2 =	simm.s32 $0x0;
	s10 =	simm.s32 $0x6  }
0x3: {  	s11 =	simm.s32 $0x80;
	s12 =	simm.s32 $0x280;
	s13 =	simm.s32 $0x4280  }
0x4: {  	s14 =	simm.s32 $0x100;
	s15 =	simm.s32 $0x8280;
	s16 =	simm.s32 $0x180  }
0x5: {  	s17 =	simm.s32 $0xC280;
	s18 =	simm.s32 $0x200;
	s19 =	simm.s32 $0x10280  }
0x6: {  	s20 =	simm.s32 $0x1;
	s21 =	simm.s32 $0x2;
	s22 =	simm.s32 $0x3  }
0x7: {  	s23 =	simm.s32 $0x4;
	s24 =	simm.s32 $0x5;
	s4 =	smul.u32 $0x28000, s3  }
0x8: {  	s1 =	sand.u32 $0x1, s1;
	[smem:$0x7FF] =	sst s2;
	s6 =	smul.u32 $0x2800, s3  }
0x9: {  	s3 =	sadd.s32 $0x1E00, s0;
	s5 =	smul.u32 $0x14000, s1;
	s7 =	ssub.s32 $0x2, s1  }
0xa: {  	s9 =	sadd.s32 $0x29E00, s0;
	s1 =	smul.u32 $0x1400, s1;
	s25 =	sshrl.u32 s7, $0x1  }
0xb: {  	_ =	strace $0x80000047;
	s0 =	sadd.s32 s4, s0;
	s4 =	ssub.s32 s7, s25  }
0xc: {  	s0 =	sadd.s32 s5, s0;
	s1 =	sadd.s32 s1, s6;
	s25 =	simm.s32 $0x0  }
0xd: {  	s4 =	smax.u32 s4, $0x1;
	s0 =	sadd.s32 $0x2EE00, s0;
	s26 =	sor.u32 $0x200, s1  }
0xe: {  	s6 =	sor.u32 $0x180, s1;
	s30 =	sor.u32 $0x100, s1;
	[dreg:$0x3] =	wrdreg s4  }
0xf: {  	s8 =	sor.u32 $0x80, s1;
	s1 =	sshrl.u32 s1, $0x3;
	[dreg:$0x2] =	wrdreg s0  }
0x10: {  	s28 =	sshrl.u32 s26, $0x3;
	s29 =	sshrl.u32 s6, $0x3;
	s6 =	sshrl.u32 s30, $0x3  }
0x11: {  	s31 =	sshrl.u32 s8, $0x3;
	s5 =	sadd.s32 s28, s9;
	s0 =	sadd.s32 s29, s9  }
0x12: {  	s7 =	sadd.s32 s6, s9;
	s8 =	sadd.s32 s31, s9;
	s9 =	sadd.s32 s1, s9  }
.LBB2_1:
0x13: {  	[tilespmem:s2], [sflag:$0x6] =	stream.linear.gather [hbm4b:s9+s2], $0x80, $0x38;
	[tilespmem:$0x14280] =	vst v63  }
0x14: {  	_ =	swait.ge [sflag:s10], $0x80  }
0x15: {  	[sflag:s10] =	ssyncset.done $0x0  }
0x16: {  	[sflag:s10] =	ssyncadd.s32 $0xFFFFFF80  }
0x17: {  	[tilespmem:s12], [sflag:$0x1] =	stream.indirect.gather [hbm4b:s3+s11], $0x80, s2, s11, $0xb8;
	[tilespmem:$0x14280] =	vst v63  }
0x18: {  	_ = 	snop  }
0x19: {  	[tilespmem:s11], [sflag:$0x6] =	stream.linear.gather [hbm4b:s8+s2], $0x80, $0x38;
	[tilespmem:$0x14280] =	vst v63  }
0x1a: {  	_ =	swait.ge [sflag:s10], $0x80  }
0x1b: {  	[sflag:s10] =	ssyncset.done $0x0  }
0x1c: {  	[sflag:s10] =	ssyncadd.s32 $0xFFFFFF80  }
0x1d: {  	[tilespmem:s13], [sflag:$0x2] =	stream.indirect.gather [hbm4b:s3+s11], $0x80, s11, s11, $0xb8;
	[tilespmem:$0x14280] =	vst v63  }
0x1e: {  	_ = 	snop  }
0x1f: {  	[tilespmem:s14], [sflag:$0x6] =	stream.linear.gather [hbm4b:s7+s2], $0x80, $0x38;
	[tilespmem:$0x14280] =	vst v63  }
0x20: {  	_ =	swait.ge [sflag:s10], $0x80  }
0x21: {  	[sflag:s10] =	ssyncset.done $0x0  }
0x22: {  	[sflag:s10] =	ssyncadd.s32 $0xFFFFFF80  }
0x23: {  	[tilespmem:s15], [sflag:$0x3] =	stream.indirect.gather [hbm4b:s3+s11], $0x80, s14, s11, $0xb8;
	[tilespmem:$0x14280] =	vst v63  }
0x24: {  	_ = 	snop  }
0x25: {  	[tilespmem:s16], [sflag:$0x6] =	stream.linear.gather [hbm4b:s0+s2], $0x80, $0x38;
	[tilespmem:$0x14280] =	vst v63  }
0x26: {  	_ =	swait.ge [sflag:s10], $0x80  }
0x27: {  	[sflag:s10] =	ssyncset.done $0x0  }
0x28: {  	[sflag:s10] =	ssyncadd.s32 $0xFFFFFF80  }
0x29: {  	[tilespmem:s17], [sflag:$0x4] =	stream.indirect.gather [hbm4b:s3+s11], $0x80, s16, s11, $0xb8;
	[tilespmem:$0x14280] =	vst v63  }
0x2a: {  	_ = 	snop  }
0x2b: {  	[tilespmem:s18], [sflag:$0x6] =	stream.linear.gather [hbm4b:s5+s2], $0x80, $0x38;
	[tilespmem:$0x14280] =	vst v63  }
0x2c: {  	_ =	swait.ge [sflag:s10], $0x80  }
0x2d: {  	[sflag:s10] =	ssyncset.done $0x0  }
0x2e: {  	[sflag:s10] =	ssyncadd.s32 $0xFFFFFF80  }
0x2f: {  	[tilespmem:s19], [sflag:$0x5] =	stream.indirect.gather [hbm4b:s3+s11], $0x80, s18, s11, $0xb8;
	[tilespmem:$0x14280] =	vst v63  }
0x30: {  	_ =	swait.ge [sflag:s20], $0x4000  }
0x31: {  	s1 =	rddreg [dreg:$0x2];
	[sflag:s20] =	ssyncset.done $0x0  }
0x32: {  	[sflag:s20] =	ssyncadd.s32 $0xFFFFC000;
	s1 =	sadd.s32 $0x0, s1  }
0x33: {  	[hbm4b:s1+s2] =	stream.linear.scatter [tilespmem:s12], [sflag:$0x6], $0x4000, $0x38;
	[tilespmem:$0x14280] =	vst v63  }
0x34: {  	_ =	swait.ge [sflag:s10], $0x4000  }
0x35: {  	[sflag:s10] =	ssyncset.done $0x0  }
0x36: {  	[sflag:s10] =	ssyncadd.s32 $0xFFFFC000  }
0x37: {  	_ =	swait.ge [sflag:s21], $0x4000  }
0x38: {  	[sflag:s21] =	ssyncset.done $0x0  }
0x39: {  	s6 =	sadd.s32 $0x800, s1;
	[sflag:s21] =	ssyncadd.s32 $0xFFFFC000  }
0x3a: {  	[hbm4b:s6+s2] =	stream.linear.scatter [tilespmem:s13], [sflag:$0x6], $0x4000, $0x38;
	[tilespmem:$0x14280] =	vst v63  }
0x3b: {  	_ =	swait.ge [sflag:s10], $0x4000  }
0x3c: {  	[sflag:s10] =	ssyncset.done $0x0  }
0x3d: {  	[sflag:s10] =	ssyncadd.s32 $0xFFFFC000  }
0x3e: {  	_ =	swait.ge [sflag:s22], $0x4000  }
0x3f: {  	[sflag:s22] =	ssyncset.done $0x0  }
0x40: {  	s4 =	sadd.s32 $0x1000, s1;
	[sflag:s22] =	ssyncadd.s32 $0xFFFFC000  }
0x41: {  	[hbm4b:s4+s2] =	stream.linear.scatter [tilespmem:s15], [sflag:$0x6], $0x4000, $0x38;
	[tilespmem:$0x14280] =	vst v63  }
0x42: {  	_ =	swait.ge [sflag:s10], $0x4000  }
0x43: {  	[sflag:s10] =	ssyncset.done $0x0  }
0x44: {  	[sflag:s10] =	ssyncadd.s32 $0xFFFFC000  }
0x45: {  	_ =	swait.ge [sflag:s23], $0x4000  }
0x46: {  	[sflag:s23] =	ssyncset.done $0x0  }
0x47: {  	s26 =	sadd.s32 $0x1800, s1;
	[sflag:s23] =	ssyncadd.s32 $0xFFFFC000  }
0x48: {  	[hbm4b:s26+s2] =	stream.linear.scatter [tilespmem:s17], [sflag:$0x6], $0x4000, $0x38;
	[tilespmem:$0x14280] =	vst v63  }
0x49: {  	_ =	swait.ge [sflag:s10], $0x4000  }
0x4a: {  	[sflag:s10] =	ssyncset.done $0x0  }
0x4b: {  	[sflag:s10] =	ssyncadd.s32 $0xFFFFC000  }
0x4c: {  	_ =	swait.ge [sflag:s24], $0x4000  }
0x4d: {  	s28 =	sadd.s32 $0x50, s9;
	[sflag:s24] =	ssyncset.done $0x0  }
0x4e: {  	s29 =	sadd.s32 $0x50, s7;
	s1 =	sadd.s32 $0x2000, s1;
	[sflag:s24] =	ssyncadd.s32 $0xFFFFC000  }
0x4f: {  	[hbm4b:s1+s2] =	stream.linear.scatter [tilespmem:s19], [sflag:$0x6], $0x4000, $0x38;
	[tilespmem:$0x14280] =	vst v63  }
0x50: {  	s30 =	sadd.s32 $0x50, s8;
	s31 =	smov.u32 s5;
	_ =	swait.ge [sflag:s10], $0x4000  }
0x51: {  	s6 =	smov.u32 s0;
	s26 =	simm.s32 $0x2800;
	[sflag:s10] =	ssyncset.done $0x0  }
.LBB2_2:
0x52: {  	[sflag:s10] =	ssyncadd.s32 $0xFFFFC000  }
0x53: {  	[tilespmem:s2], [sflag:$0x6] =	stream.linear.gather [hbm4b:s28+s2], $0x80, $0x38;
	[tilespmem:$0x14280] =	vst v63  }
0x54: {  	_ =	swait.ge [sflag:s10], $0x80  }
0x55: {  	[sflag:s10] =	ssyncset.done $0x0  }
0x56: {  	[sflag:s10] =	ssyncadd.s32 $0xFFFFFF80  }
0x57: {  	[tilespmem:s12], [sflag:$0x1] =	stream.indirect.gather [hbm4b:s3+s11], $0x80, s2, s11, $0xb8;
	[tilespmem:$0x14280] =	vst v63  }
0x58: {  	_ = 	snop  }
0x59: {  	[tilespmem:s11], [sflag:$0x6] =	stream.linear.gather [hbm4b:s30+s2], $0x80, $0x38;
	[tilespmem:$0x14280] =	vst v63  }
0x5a: {  	_ =	swait.ge [sflag:s10], $0x80  }
0x5b: {  	[sflag:s10] =	ssyncset.done $0x0  }
0x5c: {  	[sflag:s10] =	ssyncadd.s32 $0xFFFFFF80  }
0x5d: {  	[tilespmem:s13], [sflag:$0x2] =	stream.indirect.gather [hbm4b:s3+s11], $0x80, s11, s11, $0xb8;
	[tilespmem:$0x14280] =	vst v63  }
0x5e: {  	_ = 	snop  }
0x5f: {  	[tilespmem:s14], [sflag:$0x6] =	stream.linear.gather [hbm4b:s29+s2], $0x80, $0x38;
	[tilespmem:$0x14280] =	vst v63  }
0x60: {  	_ =	swait.ge [sflag:s10], $0x80  }
0x61: {  	[sflag:s10] =	ssyncset.done $0x0  }
0x62: {  	[sflag:s10] =	ssyncadd.s32 $0xFFFFFF80  }
0x63: {  	[tilespmem:s15], [sflag:$0x3] =	stream.indirect.gather [hbm4b:s3+s11], $0x80, s14, s11, $0xb8;
	[tilespmem:$0x14280] =	vst v63  }
0x64: {  	s6 =	sadd.s32 $0x50, s6  }
0x65: {  	[tilespmem:s16], [sflag:$0x6] =	stream.linear.gather [hbm4b:s6+s2], $0x80, $0x38;
	[tilespmem:$0x14280] =	vst v63  }
0x66: {  	_ =	swait.ge [sflag:s10], $0x80  }
0x67: {  	[sflag:s10] =	ssyncset.done $0x0  }
0x68: {  	[sflag:s10] =	ssyncadd.s32 $0xFFFFFF80  }
0x69: {  	[tilespmem:s17], [sflag:$0x4] =	stream.indirect.gather [hbm4b:s3+s11], $0x80, s16, s11, $0xb8;
	[tilespmem:$0x14280] =	vst v63  }
0x6a: {  	s31 =	sadd.s32 $0x50, s31  }
0x6b: {  	[tilespmem:s18], [sflag:$0x6] =	stream.linear.gather [hbm4b:s31+s2], $0x80, $0x38;
	[tilespmem:$0x14280] =	vst v63  }
0x6c: {  	_ =	swait.ge [sflag:s10], $0x80  }
0x6d: {  	[sflag:s10] =	ssyncset.done $0x0  }
0x6e: {  	[sflag:s10] =	ssyncadd.s32 $0xFFFFFF80  }
0x6f: {  	[tilespmem:s19], [sflag:$0x5] =	stream.indirect.gather [hbm4b:s3+s11], $0x80, s18, s11, $0xb8;
	[tilespmem:$0x14280] =	vst v63  }
0x70: {  	_ =	swait.ge [sflag:s20], $0x4000  }
0x71: {  	s1 =	smov.u32 s26;
	s4 =	rddreg [dreg:$0x2];
	[sflag:s20] =	ssyncset.done $0x0  }
0x72: {  	[sflag:s20] =	ssyncadd.s32 $0xFFFFC000;
	s1 =	sadd.s32 s1, s4  }
0x73: {  	[hbm4b:s1+s2] =	stream.linear.scatter [tilespmem:s12], [sflag:$0x6], $0x4000, $0x38;
	[tilespmem:$0x14280] =	vst v63  }
0x74: {  	_ =	swait.ge [sflag:s10], $0x4000  }
0x75: {  	[sflag:s10] =	ssyncset.done $0x0  }
0x76: {  	[sflag:s10] =	ssyncadd.s32 $0xFFFFC000  }
0x77: {  	_ =	swait.ge [sflag:s21], $0x4000  }
0x78: {  	[sflag:s21] =	ssyncset.done $0x0  }
0x79: {  	s4 =	sadd.s32 $0x800, s1;
	[sflag:s21] =	ssyncadd.s32 $0xFFFFC000  }
0x7a: {  	[hbm4b:s4+s2] =	stream.linear.scatter [tilespmem:s13], [sflag:$0x6], $0x4000, $0x38;
	[tilespmem:$0x14280] =	vst v63  }
0x7b: {  	_ =	swait.ge [sflag:s10], $0x4000  }
0x7c: {  	[sflag:s10] =	ssyncset.done $0x0  }
0x7d: {  	[sflag:s10] =	ssyncadd.s32 $0xFFFFC000  }
0x7e: {  	_ =	swait.ge [sflag:s22], $0x4000  }
0x7f: {  	[sflag:s22] =	ssyncset.done $0x0  }
0x80: {  	s4 =	sadd.s32 $0x1000, s1;
	[sflag:s22] =	ssyncadd.s32 $0xFFFFC000  }
0x81: {  	[hbm4b:s4+s2] =	stream.linear.scatter [tilespmem:s15], [sflag:$0x6], $0x4000, $0x38;
	[tilespmem:$0x14280] =	vst v63  }
0x82: {  	_ =	swait.ge [sflag:s10], $0x4000  }
0x83: {  	[sflag:s10] =	ssyncset.done $0x0  }
0x84: {  	[sflag:s10] =	ssyncadd.s32 $0xFFFFC000  }
0x85: {  	_ =	swait.ge [sflag:s23], $0x4000  }
0x86: {  	[sflag:s23] =	ssyncset.done $0x0  }
0x87: {  	s4 =	sadd.s32 $0x1800, s1;
	[sflag:s23] =	ssyncadd.s32 $0xFFFFC000  }
0x88: {  	[hbm4b:s4+s2] =	stream.linear.scatter [tilespmem:s17], [sflag:$0x6], $0x4000, $0x38;
	[tilespmem:$0x14280] =	vst v63  }
0x89: {  	_ =	swait.ge [sflag:s10], $0x4000  }
0x8a: {  	[sflag:s10] =	ssyncset.done $0x0  }
0x8b: {  	[sflag:s10] =	ssyncadd.s32 $0xFFFFC000  }
0x8c: {  	p0 =	sne.s32 s26, $0x11800;
	_ =	swait.ge [sflag:s24], $0x4000  }
.Ltmp0:
0x8d: {  	[sflag:s24] =	ssyncset.done $0x0;
	(pc) =	sbr.rel @p0 .LBB2_2-.Ltmp0, $4  }
0x8e: {  	s1 =	sadd.s32 $0x2000, s1;
	[sflag:s24] =	ssyncadd.s32 $0xFFFFC000  }
0x8f: {  	[hbm4b:s1+s2] =	stream.linear.scatter [tilespmem:s19], [sflag:$0x6], $0x4000, $0x38;
	[tilespmem:$0x14280] =	vst v63  }
0x90: {  	s26 =	sadd.s32 $0x2800, s26;
	s28 =	sadd.s32 $0x50, s28;
	_ =	swait.ge [sflag:s10], $0x4000  }
0x91: {  	s30 =	sadd.s32 $0x50, s30;
	s29 =	sadd.s32 $0x50, s29;
	[sflag:s10] =	ssyncset.done $0x0  }
0x92: {  	s25 =	sadd.s32 $0x1, s25;
	s1 =	rddreg [dreg:$0x3]  }
0x93: {  	p0 =	sne.s32 s25, s1  }
.Ltmp1:
0x94: {  	_ = 	snop;
	(pc) =	sbr.rel @p0 .LBB2_1-.Ltmp1, $2  }
0x95: {  	_ =	sdelay $0x2  }
0x96: {  	[sflag:s10] =	ssyncadd.s32 $0xFFFFC000  }
0x97: {  	_ =	sfence.sel $0x180000  }
0x98: {  	[bflag:$0x0] =	sbarrier.arrive $0xFFFF  }
0x99: {  	_ =	strace $0x90000047  }
0x9a: {  	s0 =	stileid.u32;
	[bflag:$0x2] =	sbarrier.arrive $0xFFFF  }
0x9b: {  	p0 =	sne.s32 s0, $0x0;
	s0 =	rddreg [dreg:$0x1]  }
0x9c: {  	s0 =	sadd.s32 @!p0 $0x100000, s0  }
0x9d: {  	[sflag:s0] =	ssyncadd.tile.s32 @!p0 $0x1;
	_ =	shalt  }
.Lfunc_end2:
_tile_overlayer_lowered:
.L_overlay_start_2:
0x9e: {  	(tag) =	ssettag $0x2  }
0x9f: {  	s0 =	rddreg [dreg:$0x0];
	s2 =	stileid.u32  }
0xa0: {  	s1 =	rddreg [dreg:$0x1];
	p0 =	sne.s32 s2, $0x0  }
0xa1: {  	s3 =	rddreg [dreg:$0x2];
	[bflag:$0x3] =	sbarrier.arrive $0xFFFF;
	s2 =	simm.s32 @!p0 $0x1C06  }
0xa2: {  	[timem:s3], [sflag:s2] =	dma.local @!p0 [hbm:s0], s1  }
0xa3: {  	s0 =	simm.s32 @!p0 $0x6  }
0xa4: {  	_ =	swait.ge @!p0 [sflag:s0], s1  }
0xa5: {  	s1 =	ssub.s32 @!p0 $0x0, s1;
	[sflag:s0] =	ssyncset.done @!p0 $0x0  }
0xa6: {  	[sflag:s0] =	ssyncadd.s32 @!p0 s1  }
0xa7: {  	[bflag:$0x3] =	sbarrier.arrive $0xFFFF  }
0xa8: {  	_ =	shalt  }

</sc_bundles>
